<compile_context>
chip_gen: v7x
topology: tpu7x:2x2x1
jax: 0.10.2.dev20260603
libtpu: 0.0.44.dev20260713+nightly
codegen_flags: <defaults>
</compile_context>

<pallas_src>
import functools

import jax
import jax.numpy as jnp
from jax import lax
from jax.experimental import pallas as pl
from jax.experimental.pallas import tpu as pltpu
from jax.experimental.pallas import tpu_sc as plsc

_N_FIELDS = 26
_VOCAB = 1000
_EMB = 31
_B = 1024
_L = 20

_EMB_PAD = 32
_NW = 32
_ROWS = _B * _L * _N_FIELDS
_RPW = _ROWS // _NW
_IW = 128
_G = 5
_CHUNK = _G * _IW
_NCH = _RPW // _CHUNK
_IDX_ROWS = _RPW // _IW


def _emb_body(tab_hbm, gidx_hbm, out_hbm, idx_v, rows_v, gsem, wsem0, wsem1):
    wid = lax.axis_index("s") * 2 + lax.axis_index("c")
    row0 = wid * _RPW

    pltpu.sync_copy(gidx_hbm.at[wid], idx_v)

    wsems = (wsem0, wsem1)

    def gather_chunk(ch, buf):
        cps = [
            pltpu.async_copy(
                tab_hbm.at[idx_v.at[ch * _G + g]],
                rows_v.at[buf, pl.ds(g * _IW, _IW), :],
                gsem,
            )
            for g in range(_G)
        ]
        for cp in cps:
            cp.wait()

    def wb_descr(ch, buf):
        return pltpu.make_async_copy(
            rows_v.at[buf],
            out_hbm.at[pl.ds(row0 + ch * _CHUNK, _CHUNK), :],
            wsems[buf],
        )

    for b in range(2):
        gather_chunk(b, b)
        wb_descr(b, b).start()

    @pl.loop(0, _NCH - 2, step=2)
    def _(c0):
        for b in range(2):
            ch = c0 + 2 + b
            wb_descr(ch, b).wait()
            gather_chunk(ch, b)
            wb_descr(ch, b).start()

    for b in range(2):
        wb_descr(_NCH - 2 + b, b).wait()


@jax.jit
def _embed(padded_tables, gidx):
    mesh = plsc.VectorSubcoreMesh(core_axis_name="c", subcore_axis_name="s")
    run = pl.kernel(
        _emb_body,
        out_type=jax.ShapeDtypeStruct((_ROWS, _EMB_PAD), jnp.float32),
        mesh=mesh,
        scratch_types=[
            pltpu.VMEM((_IDX_ROWS, _IW), jnp.int32),
            pltpu.VMEM((2, _CHUNK, _EMB_PAD), jnp.float32),
            pltpu.SemaphoreType.DMA,
            pltpu.SemaphoreType.DMA,
            pltpu.SemaphoreType.DMA,
        ],
        compiler_params=pltpu.CompilerParams(use_tc_tiling_on_sc=False),
    )
    return run(padded_tables, gidx)


def kernel(indices, tables):
    flat_tables = tables.reshape(_N_FIELDS * _VOCAB, _EMB)
    padded_tables = jnp.pad(flat_tables, ((0, 0), (0, _EMB_PAD - _EMB)))
    offs = jnp.arange(_N_FIELDS, dtype=jnp.int32) * _VOCAB
    gidx = (indices.astype(jnp.int32) + offs).reshape(_NW, _IDX_ROWS, _IW)
    out = _embed(padded_tables, gidx)
    out = out[:, :_EMB]
    return out.reshape(_B, _L, _N_FIELDS * _EMB)

# --- scband reference (transcript-rebuilt; emitter-appended) ---
"""Pipeline reference for scband-embed-categorical-layer-36369783062647 (READ-ONLY COPY).

The authoritative reference and input builder live on the scoring server;
editing this copy changes nothing except your own understanding.
"""

import jax, jax.numpy as jnp
import numpy as np

N_FIELDS = 26
VOCAB = 1000
EMB = 31  # int(sqrt(1000))
B = 1024
L = 20


def setup_inputs(seed: int = 0) -> dict:
    key = jax.random.key(seed)
    k_idx, k_tab = jax.random.split(key)
    # indices for all categorical fields stacked on the last axis: [B, L, N_FIELDS]
    indices = jax.random.randint(k_idx, (B, L, N_FIELDS), 0, VOCAB, dtype=jnp.int32)
    # per-field embedding tables stacked: [N_FIELDS, VOCAB, EMB]
    tables = jax.random.normal(k_tab, (N_FIELDS, VOCAB, EMB), dtype=jnp.float32)
    # padding_idx=0 -> row 0 of every table is zeros (as nn.Embedding(padding_idx=0) initializes)
    tables = tables.at[:, 0, :].set(0.0)
    return {"indices": indices, "tables": tables}


def reference(indices, tables):
    # Faithful translation of embed_categorical_layer.forward:
    # for each categorical variable, embed its [B, L, 1] indices -> [B, L, 1, EMB],
    # squeeze -> [B, L, EMB], then concatenate all fields along the feature axis.
    outs = []
    for f in range(N_FIELDS):
        idx_f = indices[:, :, f]              # [B, L]  (the squeeze(2) of [B, L, 1])
        emb_f = jnp.take(tables[f], idx_f, axis=0)  # gather -> [B, L, EMB]
        outs.append(emb_f)
    return jnp.concatenate(outs, axis=2)       # [B, L, N_FIELDS * EMB]

if __name__ == "__main__":
    import jax
    _d = setup_inputs()
    print(jax.jit(kernel)(*tuple(_d.values())))

</pallas_src>

<mosaic_0001>
#map = affine_map<(d0, d1) -> (0, 0)>
#map1 = affine_map<(d0, d1) -> (0, 0, 0)>
module attributes {stable_mosaic.version = 14 : i64} {
  func.func @_emb_body(%arg0: i32, %arg1: i32, %arg2: memref<26000x32xf32, #tpu.memory_space<hbm>>, %arg3: memref<32x130x128xi32, #tpu.memory_space<hbm>>, %arg4: memref<532480x32xf32, #tpu.memory_space<hbm>>, %arg5: memref<130x128xi32, #tpu.memory_space<vmem>>, %arg6: memref<2x640x32xf32, #tpu.memory_space<vmem>>, %arg7: memref<!tpu.dma_semaphore, #tpu.memory_space<semaphore_mem>>, %arg8: memref<!tpu.dma_semaphore, #tpu.memory_space<semaphore_mem>>, %arg9: memref<!tpu.dma_semaphore, #tpu.memory_space<semaphore_mem>>) attributes {dimension_semantics = [#tpu.dimension_semantics<core_parallel>, #tpu.dimension_semantics<subcore_parallel>], iteration_bounds = array<i64: 2, 16>, scalar_prefetch = 0 : i64, scratch_operands = 5 : i64, tpu.core_type = #tpu.core_type<sc_vector_subcore>, window_params = [{transform_indices = #map}, {transform_indices = #map1}, {transform_indices = #map}]} {
    %mul3A = arith.constant 2 : i32
    %mul3A_0 = arith.muli %arg1, %mul3A : i32
    %add3A = arith.addi %mul3A_0, %arg0 : i32
    %mul3A_1 = arith.constant 16640 : i32
    %mul3A_2 = arith.muli %add3A, %mul3A_1 : i32
    "tpu.region"() ({
      %run_scoped3A = tpu.sem_alloc : memref<!tpu.dma_semaphore, #tpu.memory_space<semaphore_mem>>
      %dma_start3A_305 = arith.constant 0 : i32
      %dma_start3A_306 = arith.constant 0 : i32
      %dma_start3A_307 = tpu.memref_slice %arg3[%add3A, %dma_start3A_305, %dma_start3A_306] : memref<32x130x128xi32, #tpu.memory_space<hbm>> -> memref<1x130x128xi32, #tpu.memory_space<hbm>>
      %dma_start3A_308 = tpu.memref_squeeze %dma_start3A_307 : memref<1x130x128xi32, #tpu.memory_space<hbm>> -> memref<130x128xi32, #tpu.memory_space<hbm>>
      %dma_start3A_309 = arith.constant 0 : i32
      %dma_start3A_310 = arith.constant 0 : i32
      %dma_start3A_311 = tpu.memref_slice %arg3[%add3A, %dma_start3A_309, %dma_start3A_310] : memref<32x130x128xi32, #tpu.memory_space<hbm>> -> memref<1x130x128xi32, #tpu.memory_space<hbm>>
      %dma_start3A_312 = tpu.memref_squeeze %dma_start3A_311 : memref<1x130x128xi32, #tpu.memory_space<hbm>> -> memref<130x128xi32, #tpu.memory_space<hbm>>
      tpu.enqueue_dma source(%dma_start3A_312 : memref<130x128xi32, #tpu.memory_space<hbm>>) target(%arg5 : memref<130x128xi32, #tpu.memory_space<vmem>>) target_semaphore(%run_scoped3A : memref<!tpu.dma_semaphore, #tpu.memory_space<semaphore_mem>>)
      %dma_wait3A_313 = arith.constant 0 : i32
      %dma_wait3A_314 = arith.constant 0 : i32
      %dma_wait3A_315 = tpu.memref_slice %arg3[%add3A, %dma_wait3A_313, %dma_wait3A_314] : memref<32x130x128xi32, #tpu.memory_space<hbm>> -> memref<1x130x128xi32, #tpu.memory_space<hbm>>
      %dma_wait3A_316 = tpu.memref_squeeze %dma_wait3A_315 : memref<1x130x128xi32, #tpu.memory_space<hbm>> -> memref<130x128xi32, #tpu.memory_space<hbm>>
      %dma_wait3A_317 = arith.constant 0 : i32
      %dma_wait3A_318 = arith.constant 0 : i32
      %dma_wait3A_319 = tpu.memref_slice %arg3[%add3A, %dma_wait3A_317, %dma_wait3A_318] : memref<32x130x128xi32, #tpu.memory_space<hbm>> -> memref<1x130x128xi32, #tpu.memory_space<hbm>>
      %dma_wait3A_320 = tpu.memref_squeeze %dma_wait3A_319 : memref<1x130x128xi32, #tpu.memory_space<hbm>> -> memref<130x128xi32, #tpu.memory_space<hbm>>
      tpu.wait_dma2 semaphore(%run_scoped3A : memref<!tpu.dma_semaphore, #tpu.memory_space<semaphore_mem>>) src(%dma_wait3A_320 : memref<130x128xi32, #tpu.memory_space<hbm>>) dst(%arg5 : memref<130x128xi32, #tpu.memory_space<vmem>>)
      tpu.yield
    }) : () -> ()
    %dma_start3A = arith.constant 0 : i32
    %dma_start3A_3 = arith.constant 0 : i32
    %dma_start3A_4 = arith.constant 0 : i32
    %dma_start3A_5 = arith.constant 0 : i32
    %dma_start3A_6 = tpu.memref_slice %arg6[%dma_start3A_3, %dma_start3A_4, %dma_start3A_5] : memref<2x640x32xf32, #tpu.memory_space<vmem>> -> memref<1x128x32xf32, #tpu.memory_space<vmem>>
    %dma_start3A_7 = tpu.memref_squeeze %dma_start3A_6 : memref<1x128x32xf32, #tpu.memory_space<vmem>> -> memref<128x32xf32, #tpu.memory_space<vmem>>
    %dma_start3A_8 = arith.constant 0 : i32
    %dma_start3A_9 = tpu.memref_slice %arg5[%dma_start3A, %dma_start3A_8] : memref<130x128xi32, #tpu.memory_space<vmem>> -> memref<1x128xi32, #tpu.memory_space<vmem>>
    %dma_start3A_10 = tpu.memref_squeeze %dma_start3A_9 : memref<1x128xi32, #tpu.memory_space<vmem>> -> memref<128xi32, #tpu.memory_space<vmem>>
    %dma_start3A_11 = arith.constant 0 : i32
    %dma_start3A_12 = arith.constant 0 : i32
    %dma_start3A_13 = tpu.memref_slice %arg2[%dma_start3A_11, %dma_start3A_12] : memref<26000x32xf32, #tpu.memory_space<hbm>> -> memref<26000x32xf32, #tpu.memory_space<hbm>>
    tpu.enqueue_indirect_dma source(%dma_start3A_13 : memref<26000x32xf32, #tpu.memory_space<hbm>>) target(%dma_start3A_7 : memref<128x32xf32, #tpu.memory_space<vmem>>) offsets(%dma_start3A_10 : memref<128xi32, #tpu.memory_space<vmem>>) semaphore(%arg7 : memref<!tpu.dma_semaphore, #tpu.memory_space<semaphore_mem>>)
    %dma_start3A_14 = arith.constant 1 : i32
    %dma_start3A_15 = arith.constant 0 : i32
    %dma_start3A_16 = arith.constant 128 : i32
    %dma_start3A_17 = arith.constant 0 : i32
    %dma_start3A_18 = tpu.memref_slice %arg6[%dma_start3A_15, %dma_start3A_16, %dma_start3A_17] : memref<2x640x32xf32, #tpu.memory_space<vmem>> -> memref<1x128x32xf32, #tpu.memory_space<vmem>>
    %dma_start3A_19 = tpu.memref_squeeze %dma_start3A_18 : memref<1x128x32xf32, #tpu.memory_space<vmem>> -> memref<128x32xf32, #tpu.memory_space<vmem>>
    %dma_start3A_20 = arith.constant 0 : i32
    %dma_start3A_21 = tpu.memref_slice %arg5[%dma_start3A_14, %dma_start3A_20] : memref<130x128xi32, #tpu.memory_space<vmem>> -> memref<1x128xi32, #tpu.memory_space<vmem>>
    %dma_start3A_22 = tpu.memref_squeeze %dma_start3A_21 : memref<1x128xi32, #tpu.memory_space<vmem>> -> memref<128xi32, #tpu.memory_space<vmem>>
    %dma_start3A_23 = arith.constant 0 : i32
    %dma_start3A_24 = arith.constant 0 : i32
    %dma_start3A_25 = tpu.memref_slice %arg2[%dma_start3A_23, %dma_start3A_24] : memref<26000x32xf32, #tpu.memory_space<hbm>> -> memref<26000x32xf32, #tpu.memory_space<hbm>>
    tpu.enqueue_indirect_dma source(%dma_start3A_25 : memref<26000x32xf32, #tpu.memory_space<hbm>>) target(%dma_start3A_19 : memref<128x32xf32, #tpu.memory_space<vmem>>) offsets(%dma_start3A_22 : memref<128xi32, #tpu.memory_space<vmem>>) semaphore(%arg7 : memref<!tpu.dma_semaphore, #tpu.memory_space<semaphore_mem>>)
    %dma_start3A_26 = arith.constant 2 : i32
    %dma_start3A_27 = arith.constant 0 : i32
    %dma_start3A_28 = arith.constant 256 : i32
    %dma_start3A_29 = arith.constant 0 : i32
    %dma_start3A_30 = tpu.memref_slice %arg6[%dma_start3A_27, %dma_start3A_28, %dma_start3A_29] : memref<2x640x32xf32, #tpu.memory_space<vmem>> -> memref<1x128x32xf32, #tpu.memory_space<vmem>>
    %dma_start3A_31 = tpu.memref_squeeze %dma_start3A_30 : memref<1x128x32xf32, #tpu.memory_space<vmem>> -> memref<128x32xf32, #tpu.memory_space<vmem>>
    %dma_start3A_32 = arith.constant 0 : i32
    %dma_start3A_33 = tpu.memref_slice %arg5[%dma_start3A_26, %dma_start3A_32] : memref<130x128xi32, #tpu.memory_space<vmem>> -> memref<1x128xi32, #tpu.memory_space<vmem>>
    %dma_start3A_34 = tpu.memref_squeeze %dma_start3A_33 : memref<1x128xi32, #tpu.memory_space<vmem>> -> memref<128xi32, #tpu.memory_space<vmem>>
    %dma_start3A_35 = arith.constant 0 : i32
    %dma_start3A_36 = arith.constant 0 : i32
    %dma_start3A_37 = tpu.memref_slice %arg2[%dma_start3A_35, %dma_start3A_36] : memref<26000x32xf32, #tpu.memory_space<hbm>> -> memref<26000x32xf32, #tpu.memory_space<hbm>>
    tpu.enqueue_indirect_dma source(%dma_start3A_37 : memref<26000x32xf32, #tpu.memory_space<hbm>>) target(%dma_start3A_31 : memref<128x32xf32, #tpu.memory_space<vmem>>) offsets(%dma_start3A_34 : memref<128xi32, #tpu.memory_space<vmem>>) semaphore(%arg7 : memref<!tpu.dma_semaphore, #tpu.memory_space<semaphore_mem>>)
    %dma_start3A_38 = arith.constant 3 : i32
    %dma_start3A_39 = arith.constant 0 : i32
    %dma_start3A_40 = arith.constant 384 : i32
    %dma_start3A_41 = arith.constant 0 : i32
    %dma_start3A_42 = tpu.memref_slice %arg6[%dma_start3A_39, %dma_start3A_40, %dma_start3A_41] : memref<2x640x32xf32, #tpu.memory_space<vmem>> -> memref<1x128x32xf32, #tpu.memory_space<vmem>>
    %dma_start3A_43 = tpu.memref_squeeze %dma_start3A_42 : memref<1x128x32xf32, #tpu.memory_space<vmem>> -> memref<128x32xf32, #tpu.memory_space<vmem>>
    %dma_start3A_44 = arith.constant 0 : i32
    %dma_start3A_45 = tpu.memref_slice %arg5[%dma_start3A_38, %dma_start3A_44] : memref<130x128xi32, #tpu.memory_space<vmem>> -> memref<1x128xi32, #tpu.memory_space<vmem>>
    %dma_start3A_46 = tpu.memref_squeeze %dma_start3A_45 : memref<1x128xi32, #tpu.memory_space<vmem>> -> memref<128xi32, #tpu.memory_space<vmem>>
    %dma_start3A_47 = arith.constant 0 : i32
    %dma_start3A_48 = arith.constant 0 : i32
    %dma_start3A_49 = tpu.memref_slice %arg2[%dma_start3A_47, %dma_start3A_48] : memref<26000x32xf32, #tpu.memory_space<hbm>> -> memref<26000x32xf32, #tpu.memory_space<hbm>>
    tpu.enqueue_indirect_dma source(%dma_start3A_49 : memref<26000x32xf32, #tpu.memory_space<hbm>>) target(%dma_start3A_43 : memref<128x32xf32, #tpu.memory_space<vmem>>) offsets(%dma_start3A_46 : memref<128xi32, #tpu.memory_space<vmem>>) semaphore(%arg7 : memref<!tpu.dma_semaphore, #tpu.memory_space<semaphore_mem>>)
    %dma_start3A_50 = arith.constant 4 : i32
    %dma_start3A_51 = arith.constant 0 : i32
    %dma_start3A_52 = arith.constant 512 : i32
    %dma_start3A_53 = arith.constant 0 : i32
    %dma_start3A_54 = tpu.memref_slice %arg6[%dma_start3A_51, %dma_start3A_52, %dma_start3A_53] : memref<2x640x32xf32, #tpu.memory_space<vmem>> -> memref<1x128x32xf32, #tpu.memory_space<vmem>>
    %dma_start3A_55 = tpu.memref_squeeze %dma_start3A_54 : memref<1x128x32xf32, #tpu.memory_space<vmem>> -> memref<128x32xf32, #tpu.memory_space<vmem>>
    %dma_start3A_56 = arith.constant 0 : i32
    %dma_start3A_57 = tpu.memref_slice %arg5[%dma_start3A_50, %dma_start3A_56] : memref<130x128xi32, #tpu.memory_space<vmem>> -> memref<1x128xi32, #tpu.memory_space<vmem>>
    %dma_start3A_58 = tpu.memref_squeeze %dma_start3A_57 : memref<1x128xi32, #tpu.memory_space<vmem>> -> memref<128xi32, #tpu.memory_space<vmem>>
    %dma_start3A_59 = arith.constant 0 : i32
    %dma_start3A_60 = arith.constant 0 : i32
    %dma_start3A_61 = tpu.memref_slice %arg2[%dma_start3A_59, %dma_start3A_60] : memref<26000x32xf32, #tpu.memory_space<hbm>> -> memref<26000x32xf32, #tpu.memory_space<hbm>>
    tpu.enqueue_indirect_dma source(%dma_start3A_61 : memref<26000x32xf32, #tpu.memory_space<hbm>>) target(%dma_start3A_55 : memref<128x32xf32, #tpu.memory_space<vmem>>) offsets(%dma_start3A_58 : memref<128xi32, #tpu.memory_space<vmem>>) semaphore(%arg7 : memref<!tpu.dma_semaphore, #tpu.memory_space<semaphore_mem>>)
    %dma_wait3A = arith.constant 0 : i32
    %dma_wait3A_62 = arith.constant 0 : i32
    %dma_wait3A_63 = arith.constant 0 : i32
    %dma_wait3A_64 = arith.constant 0 : i32
    %dma_wait3A_65 = tpu.memref_slice %arg6[%dma_wait3A_62, %dma_wait3A_63, %dma_wait3A_64] : memref<2x640x32xf32, #tpu.memory_space<vmem>> -> memref<1x128x32xf32, #tpu.memory_space<vmem>>
    %dma_wait3A_66 = tpu.memref_squeeze %dma_wait3A_65 : memref<1x128x32xf32, #tpu.memory_space<vmem>> -> memref<128x32xf32, #tpu.memory_space<vmem>>
    %dma_wait3A_67 = arith.constant 0 : i32
    %dma_wait3A_68 = tpu.memref_slice %arg5[%dma_wait3A, %dma_wait3A_67] : memref<130x128xi32, #tpu.memory_space<vmem>> -> memref<1x128xi32, #tpu.memory_space<vmem>>
    %dma_wait3A_69 = tpu.memref_squeeze %dma_wait3A_68 : memref<1x128xi32, #tpu.memory_space<vmem>> -> memref<128xi32, #tpu.memory_space<vmem>>
    %dma_wait3A_70 = arith.constant 0 : i32
    %dma_wait3A_71 = arith.constant 0 : i32
    %dma_wait3A_72 = tpu.memref_slice %arg2[%dma_wait3A_70, %dma_wait3A_71] : memref<26000x32xf32, #tpu.memory_space<hbm>> -> memref<26000x32xf32, #tpu.memory_space<hbm>>
    tpu.wait_indirect_dma semaphore(%arg7 : memref<!tpu.dma_semaphore, #tpu.memory_space<semaphore_mem>>) src(%dma_wait3A_72 : memref<26000x32xf32, #tpu.memory_space<hbm>>) dst(%dma_wait3A_66 : memref<128x32xf32, #tpu.memory_space<vmem>>)
    %dma_wait3A_73 = arith.constant 1 : i32
    %dma_wait3A_74 = arith.constant 0 : i32
    %dma_wait3A_75 = arith.constant 128 : i32
    %dma_wait3A_76 = arith.constant 0 : i32
    %dma_wait3A_77 = tpu.memref_slice %arg6[%dma_wait3A_74, %dma_wait3A_75, %dma_wait3A_76] : memref<2x640x32xf32, #tpu.memory_space<vmem>> -> memref<1x128x32xf32, #tpu.memory_space<vmem>>
    %dma_wait3A_78 = tpu.memref_squeeze %dma_wait3A_77 : memref<1x128x32xf32, #tpu.memory_space<vmem>> -> memref<128x32xf32, #tpu.memory_space<vmem>>
    %dma_wait3A_79 = arith.constant 0 : i32
    %dma_wait3A_80 = tpu.memref_slice %arg5[%dma_wait3A_73, %dma_wait3A_79] : memref<130x128xi32, #tpu.memory_space<vmem>> -> memref<1x128xi32, #tpu.memory_space<vmem>>
    %dma_wait3A_81 = tpu.memref_squeeze %dma_wait3A_80 : memref<1x128xi32, #tpu.memory_space<vmem>> -> memref<128xi32, #tpu.memory_space<vmem>>
    %dma_wait3A_82 = arith.constant 0 : i32
    %dma_wait3A_83 = arith.constant 0 : i32
    %dma_wait3A_84 = tpu.memref_slice %arg2[%dma_wait3A_82, %dma_wait3A_83] : memref<26000x32xf32, #tpu.memory_space<hbm>> -> memref<26000x32xf32, #tpu.memory_space<hbm>>
    tpu.wait_indirect_dma semaphore(%arg7 : memref<!tpu.dma_semaphore, #tpu.memory_space<semaphore_mem>>) src(%dma_wait3A_84 : memref<26000x32xf32, #tpu.memory_space<hbm>>) dst(%dma_wait3A_78 : memref<128x32xf32, #tpu.memory_space<vmem>>)
    %dma_wait3A_85 = arith.constant 2 : i32
    %dma_wait3A_86 = arith.constant 0 : i32
    %dma_wait3A_87 = arith.constant 256 : i32
    %dma_wait3A_88 = arith.constant 0 : i32
    %dma_wait3A_89 = tpu.memref_slice %arg6[%dma_wait3A_86, %dma_wait3A_87, %dma_wait3A_88] : memref<2x640x32xf32, #tpu.memory_space<vmem>> -> memref<1x128x32xf32, #tpu.memory_space<vmem>>
    %dma_wait3A_90 = tpu.memref_squeeze %dma_wait3A_89 : memref<1x128x32xf32, #tpu.memory_space<vmem>> -> memref<128x32xf32, #tpu.memory_space<vmem>>
    %dma_wait3A_91 = arith.constant 0 : i32
    %dma_wait3A_92 = tpu.memref_slice %arg5[%dma_wait3A_85, %dma_wait3A_91] : memref<130x128xi32, #tpu.memory_space<vmem>> -> memref<1x128xi32, #tpu.memory_space<vmem>>
    %dma_wait3A_93 = tpu.memref_squeeze %dma_wait3A_92 : memref<1x128xi32, #tpu.memory_space<vmem>> -> memref<128xi32, #tpu.memory_space<vmem>>
    %dma_wait3A_94 = arith.constant 0 : i32
    %dma_wait3A_95 = arith.constant 0 : i32
    %dma_wait3A_96 = tpu.memref_slice %arg2[%dma_wait3A_94, %dma_wait3A_95] : memref<26000x32xf32, #tpu.memory_space<hbm>> -> memref<26000x32xf32, #tpu.memory_space<hbm>>
    tpu.wait_indirect_dma semaphore(%arg7 : memref<!tpu.dma_semaphore, #tpu.memory_space<semaphore_mem>>) src(%dma_wait3A_96 : memref<26000x32xf32, #tpu.memory_space<hbm>>) dst(%dma_wait3A_90 : memref<128x32xf32, #tpu.memory_space<vmem>>)
    %dma_wait3A_97 = arith.constant 3 : i32
    %dma_wait3A_98 = arith.constant 0 : i32
    %dma_wait3A_99 = arith.constant 384 : i32
    %dma_wait3A_100 = arith.constant 0 : i32
    %dma_wait3A_101 = tpu.memref_slice %arg6[%dma_wait3A_98, %dma_wait3A_99, %dma_wait3A_100] : memref<2x640x32xf32, #tpu.memory_space<vmem>> -> memref<1x128x32xf32, #tpu.memory_space<vmem>>
    %dma_wait3A_102 = tpu.memref_squeeze %dma_wait3A_101 : memref<1x128x32xf32, #tpu.memory_space<vmem>> -> memref<128x32xf32, #tpu.memory_space<vmem>>
    %dma_wait3A_103 = arith.constant 0 : i32
    %dma_wait3A_104 = tpu.memref_slice %arg5[%dma_wait3A_97, %dma_wait3A_103] : memref<130x128xi32, #tpu.memory_space<vmem>> -> memref<1x128xi32, #tpu.memory_space<vmem>>
    %dma_wait3A_105 = tpu.memref_squeeze %dma_wait3A_104 : memref<1x128xi32, #tpu.memory_space<vmem>> -> memref<128xi32, #tpu.memory_space<vmem>>
    %dma_wait3A_106 = arith.constant 0 : i32
    %dma_wait3A_107 = arith.constant 0 : i32
    %dma_wait3A_108 = tpu.memref_slice %arg2[%dma_wait3A_106, %dma_wait3A_107] : memref<26000x32xf32, #tpu.memory_space<hbm>> -> memref<26000x32xf32, #tpu.memory_space<hbm>>
    tpu.wait_indirect_dma semaphore(%arg7 : memref<!tpu.dma_semaphore, #tpu.memory_space<semaphore_mem>>) src(%dma_wait3A_108 : memref<26000x32xf32, #tpu.memory_space<hbm>>) dst(%dma_wait3A_102 : memref<128x32xf32, #tpu.memory_space<vmem>>)
    %dma_wait3A_109 = arith.constant 4 : i32
    %dma_wait3A_110 = arith.constant 0 : i32
    %dma_wait3A_111 = arith.constant 512 : i32
    %dma_wait3A_112 = arith.constant 0 : i32
    %dma_wait3A_113 = tpu.memref_slice %arg6[%dma_wait3A_110, %dma_wait3A_111, %dma_wait3A_112] : memref<2x640x32xf32, #tpu.memory_space<vmem>> -> memref<1x128x32xf32, #tpu.memory_space<vmem>>
    %dma_wait3A_114 = tpu.memref_squeeze %dma_wait3A_113 : memref<1x128x32xf32, #tpu.memory_space<vmem>> -> memref<128x32xf32, #tpu.memory_space<vmem>>
    %dma_wait3A_115 = arith.constant 0 : i32
    %dma_wait3A_116 = tpu.memref_slice %arg5[%dma_wait3A_109, %dma_wait3A_115] : memref<130x128xi32, #tpu.memory_space<vmem>> -> memref<1x128xi32, #tpu.memory_space<vmem>>
    %dma_wait3A_117 = tpu.memref_squeeze %dma_wait3A_116 : memref<1x128xi32, #tpu.memory_space<vmem>> -> memref<128xi32, #tpu.memory_space<vmem>>
    %dma_wait3A_118 = arith.constant 0 : i32
    %dma_wait3A_119 = arith.constant 0 : i32
    %dma_wait3A_120 = tpu.memref_slice %arg2[%dma_wait3A_118, %dma_wait3A_119] : memref<26000x32xf32, #tpu.memory_space<hbm>> -> memref<26000x32xf32, #tpu.memory_space<hbm>>
    tpu.wait_indirect_dma semaphore(%arg7 : memref<!tpu.dma_semaphore, #tpu.memory_space<semaphore_mem>>) src(%dma_wait3A_120 : memref<26000x32xf32, #tpu.memory_space<hbm>>) dst(%dma_wait3A_114 : memref<128x32xf32, #tpu.memory_space<vmem>>)
    %add3A_121 = arith.constant 0 : i32
    %add3A_122 = arith.addi %mul3A_2, %add3A_121 : i32
    %dma_start3A_123 = arith.constant 0 : i32
    %dma_start3A_124 = arith.constant 0 : i32
    %dma_start3A_125 = arith.constant 0 : i32
    %dma_start3A_126 = tpu.memref_slice %arg6[%dma_start3A_123, %dma_start3A_124, %dma_start3A_125] : memref<2x640x32xf32, #tpu.memory_space<vmem>> -> memref<1x640x32xf32, #tpu.memory_space<vmem>>
    %dma_start3A_127 = tpu.memref_squeeze %dma_start3A_126 : memref<1x640x32xf32, #tpu.memory_space<vmem>> -> memref<640x32xf32, #tpu.memory_space<vmem>>
    %dma_start3A_128 = arith.constant 0 : i32
    %dma_start3A_129 = tpu.memref_slice %arg4[%add3A_122, %dma_start3A_128] : memref<532480x32xf32, #tpu.memory_space<hbm>> -> memref<640x32xf32, #tpu.memory_space<hbm>>
    %dma_start3A_130 = arith.constant 0 : i32
    %dma_start3A_131 = tpu.memref_slice %arg4[%add3A_122, %dma_start3A_130] : memref<532480x32xf32, #tpu.memory_space<hbm>> -> memref<640x32xf32, #tpu.memory_space<hbm>>
    %dma_start3A_132 = arith.constant 0 : i32
    %dma_start3A_133 = arith.constant 0 : i32
    %dma_start3A_134 = tpu.memref_slice %arg6[%dma_start3A_123, %dma_start3A_132, %dma_start3A_133] : memref<2x640x32xf32, #tpu.memory_space<vmem>> -> memref<1x640x32xf32, #tpu.memory_space<vmem>>
    %dma_start3A_135 = tpu.memref_squeeze %dma_start3A_134 : memref<1x640x32xf32, #tpu.memory_space<vmem>> -> memref<640x32xf32, #tpu.memory_space<vmem>>
    tpu.enqueue_dma source(%dma_start3A_135 : memref<640x32xf32, #tpu.memory_space<vmem>>) target(%dma_start3A_131 : memref<640x32xf32, #tpu.memory_space<hbm>>) target_semaphore(%arg8 : memref<!tpu.dma_semaphore, #tpu.memory_space<semaphore_mem>>)
    %dma_start3A_136 = arith.constant 5 : i32
    %dma_start3A_137 = arith.constant 1 : i32
    %dma_start3A_138 = arith.constant 0 : i32
    %dma_start3A_139 = arith.constant 0 : i32
    %dma_start3A_140 = tpu.memref_slice %arg6[%dma_start3A_137, %dma_start3A_138, %dma_start3A_139] : memref<2x640x32xf32, #tpu.memory_space<vmem>> -> memref<1x128x32xf32, #tpu.memory_space<vmem>>
    %dma_start3A_141 = tpu.memref_squeeze %dma_start3A_140 : memref<1x128x32xf32, #tpu.memory_space<vmem>> -> memref<128x32xf32, #tpu.memory_space<vmem>>
    %dma_start3A_142 = arith.constant 0 : i32
    %dma_start3A_143 = tpu.memref_slice %arg5[%dma_start3A_136, %dma_start3A_142] : memref<130x128xi32, #tpu.memory_space<vmem>> -> memref<1x128xi32, #tpu.memory_space<vmem>>
    %dma_start3A_144 = tpu.memref_squeeze %dma_start3A_143 : memref<1x128xi32, #tpu.memory_space<vmem>> -> memref<128xi32, #tpu.memory_space<vmem>>
    %dma_start3A_145 = arith.constant 0 : i32
    %dma_start3A_146 = arith.constant 0 : i32
    %dma_start3A_147 = tpu.memref_slice %arg2[%dma_start3A_145, %dma_start3A_146] : memref<26000x32xf32, #tpu.memory_space<hbm>> -> memref<26000x32xf32, #tpu.memory_space<hbm>>
    tpu.enqueue_indirect_dma source(%dma_start3A_147 : memref<26000x32xf32, #tpu.memory_space<hbm>>) target(%dma_start3A_141 : memref<128x32xf32, #tpu.memory_space<vmem>>) offsets(%dma_start3A_144 : memref<128xi32, #tpu.memory_space<vmem>>) semaphore(%arg7 : memref<!tpu.dma_semaphore, #tpu.memory_space<semaphore_mem>>)
    %dma_start3A_148 = arith.constant 6 : i32
    %dma_start3A_149 = arith.constant 1 : i32
    %dma_start3A_150 = arith.constant 128 : i32
    %dma_start3A_151 = arith.constant 0 : i32
    %dma_start3A_152 = tpu.memref_slice %arg6[%dma_start3A_149, %dma_start3A_150, %dma_start3A_151] : memref<2x640x32xf32, #tpu.memory_space<vmem>> -> memref<1x128x32xf32, #tpu.memory_space<vmem>>
    %dma_start3A_153 = tpu.memref_squeeze %dma_start3A_152 : memref<1x128x32xf32, #tpu.memory_space<vmem>> -> memref<128x32xf32, #tpu.memory_space<vmem>>
    %dma_start3A_154 = arith.constant 0 : i32
    %dma_start3A_155 = tpu.memref_slice %arg5[%dma_start3A_148, %dma_start3A_154] : memref<130x128xi32, #tpu.memory_space<vmem>> -> memref<1x128xi32, #tpu.memory_space<vmem>>
    %dma_start3A_156 = tpu.memref_squeeze %dma_start3A_155 : memref<1x128xi32, #tpu.memory_space<vmem>> -> memref<128xi32, #tpu.memory_space<vmem>>
    %dma_start3A_157 = arith.constant 0 : i32
    %dma_start3A_158 = arith.constant 0 : i32
    %dma_start3A_159 = tpu.memref_slice %arg2[%dma_start3A_157, %dma_start3A_158] : memref<26000x32xf32, #tpu.memory_space<hbm>> -> memref<26000x32xf32, #tpu.memory_space<hbm>>
    tpu.enqueue_indirect_dma source(%dma_start3A_159 : memref<26000x32xf32, #tpu.memory_space<hbm>>) target(%dma_start3A_153 : memref<128x32xf32, #tpu.memory_space<vmem>>) offsets(%dma_start3A_156 : memref<128xi32, #tpu.memory_space<vmem>>) semaphore(%arg7 : memref<!tpu.dma_semaphore, #tpu.memory_space<semaphore_mem>>)
    %dma_start3A_160 = arith.constant 7 : i32
    %dma_start3A_161 = arith.constant 1 : i32
    %dma_start3A_162 = arith.constant 256 : i32
    %dma_start3A_163 = arith.constant 0 : i32
    %dma_start3A_164 = tpu.memref_slice %arg6[%dma_start3A_161, %dma_start3A_162, %dma_start3A_163] : memref<2x640x32xf32, #tpu.memory_space<vmem>> -> memref<1x128x32xf32, #tpu.memory_space<vmem>>
    %dma_start3A_165 = tpu.memref_squeeze %dma_start3A_164 : memref<1x128x32xf32, #tpu.memory_space<vmem>> -> memref<128x32xf32, #tpu.memory_space<vmem>>
    %dma_start3A_166 = arith.constant 0 : i32
    %dma_start3A_167 = tpu.memref_slice %arg5[%dma_start3A_160, %dma_start3A_166] : memref<130x128xi32, #tpu.memory_space<vmem>> -> memref<1x128xi32, #tpu.memory_space<vmem>>
    %dma_start3A_168 = tpu.memref_squeeze %dma_start3A_167 : memref<1x128xi32, #tpu.memory_space<vmem>> -> memref<128xi32, #tpu.memory_space<vmem>>
    %dma_start3A_169 = arith.constant 0 : i32
    %dma_start3A_170 = arith.constant 0 : i32
    %dma_start3A_171 = tpu.memref_slice %arg2[%dma_start3A_169, %dma_start3A_170] : memref<26000x32xf32, #tpu.memory_space<hbm>> -> memref<26000x32xf32, #tpu.memory_space<hbm>>
    tpu.enqueue_indirect_dma source(%dma_start3A_171 : memref<26000x32xf32, #tpu.memory_space<hbm>>) target(%dma_start3A_165 : memref<128x32xf32, #tpu.memory_space<vmem>>) offsets(%dma_start3A_168 : memref<128xi32, #tpu.memory_space<vmem>>) semaphore(%arg7 : memref<!tpu.dma_semaphore, #tpu.memory_space<semaphore_mem>>)
    %dma_start3A_172 = arith.constant 8 : i32
    %dma_start3A_173 = arith.constant 1 : i32
    %dma_start3A_174 = arith.constant 384 : i32
    %dma_start3A_175 = arith.constant 0 : i32
    %dma_start3A_176 = tpu.memref_slice %arg6[%dma_start3A_173, %dma_start3A_174, %dma_start3A_175] : memref<2x640x32xf32, #tpu.memory_space<vmem>> -> memref<1x128x32xf32, #tpu.memory_space<vmem>>
    %dma_start3A_177 = tpu.memref_squeeze %dma_start3A_176 : memref<1x128x32xf32, #tpu.memory_space<vmem>> -> memref<128x32xf32, #tpu.memory_space<vmem>>
    %dma_start3A_178 = arith.constant 0 : i32
    %dma_start3A_179 = tpu.memref_slice %arg5[%dma_start3A_172, %dma_start3A_178] : memref<130x128xi32, #tpu.memory_space<vmem>> -> memref<1x128xi32, #tpu.memory_space<vmem>>
    %dma_start3A_180 = tpu.memref_squeeze %dma_start3A_179 : memref<1x128xi32, #tpu.memory_space<vmem>> -> memref<128xi32, #tpu.memory_space<vmem>>
    %dma_start3A_181 = arith.constant 0 : i32
    %dma_start3A_182 = arith.constant 0 : i32
    %dma_start3A_183 = tpu.memref_slice %arg2[%dma_start3A_181, %dma_start3A_182] : memref<26000x32xf32, #tpu.memory_space<hbm>> -> memref<26000x32xf32, #tpu.memory_space<hbm>>
    tpu.enqueue_indirect_dma source(%dma_start3A_183 : memref<26000x32xf32, #tpu.memory_space<hbm>>) target(%dma_start3A_177 : memref<128x32xf32, #tpu.memory_space<vmem>>) offsets(%dma_start3A_180 : memref<128xi32, #tpu.memory_space<vmem>>) semaphore(%arg7 : memref<!tpu.dma_semaphore, #tpu.memory_space<semaphore_mem>>)
    %dma_start3A_184 = arith.constant 9 : i32
    %dma_start3A_185 = arith.constant 1 : i32
    %dma_start3A_186 = arith.constant 512 : i32
    %dma_start3A_187 = arith.constant 0 : i32
    %dma_start3A_188 = tpu.memref_slice %arg6[%dma_start3A_185, %dma_start3A_186, %dma_start3A_187] : memref<2x640x32xf32, #tpu.memory_space<vmem>> -> memref<1x128x32xf32, #tpu.memory_space<vmem>>
    %dma_start3A_189 = tpu.memref_squeeze %dma_start3A_188 : memref<1x128x32xf32, #tpu.memory_space<vmem>> -> memref<128x32xf32, #tpu.memory_space<vmem>>
    %dma_start3A_190 = arith.constant 0 : i32
    %dma_start3A_191 = tpu.memref_slice %arg5[%dma_start3A_184, %dma_start3A_190] : memref<130x128xi32, #tpu.memory_space<vmem>> -> memref<1x128xi32, #tpu.memory_space<vmem>>
    %dma_start3A_192 = tpu.memref_squeeze %dma_start3A_191 : memref<1x128xi32, #tpu.memory_space<vmem>> -> memref<128xi32, #tpu.memory_space<vmem>>
    %dma_start3A_193 = arith.constant 0 : i32
    %dma_start3A_194 = arith.constant 0 : i32
    %dma_start3A_195 = tpu.memref_slice %arg2[%dma_start3A_193, %dma_start3A_194] : memref<26000x32xf32, #tpu.memory_space<hbm>> -> memref<26000x32xf32, #tpu.memory_space<hbm>>
    tpu.enqueue_indirect_dma source(%dma_start3A_195 : memref<26000x32xf32, #tpu.memory_space<hbm>>) target(%dma_start3A_189 : memref<128x32xf32, #tpu.memory_space<vmem>>) offsets(%dma_start3A_192 : memref<128xi32, #tpu.memory_space<vmem>>) semaphore(%arg7 : memref<!tpu.dma_semaphore, #tpu.memory_space<semaphore_mem>>)
    %dma_wait3A_196 = arith.constant 5 : i32
    %dma_wait3A_197 = arith.constant 1 : i32
    %dma_wait3A_198 = arith.constant 0 : i32
    %dma_wait3A_199 = arith.constant 0 : i32
    %dma_wait3A_200 = tpu.memref_slice %arg6[%dma_wait3A_197, %dma_wait3A_198, %dma_wait3A_199] : memref<2x640x32xf32, #tpu.memory_space<vmem>> -> memref<1x128x32xf32, #tpu.memory_space<vmem>>
    %dma_wait3A_201 = tpu.memref_squeeze %dma_wait3A_200 : memref<1x128x32xf32, #tpu.memory_space<vmem>> -> memref<128x32xf32, #tpu.memory_space<vmem>>
    %dma_wait3A_202 = arith.constant 0 : i32
    %dma_wait3A_203 = tpu.memref_slice %arg5[%dma_wait3A_196, %dma_wait3A_202] : memref<130x128xi32, #tpu.memory_space<vmem>> -> memref<1x128xi32, #tpu.memory_space<vmem>>
    %dma_wait3A_204 = tpu.memref_squeeze %dma_wait3A_203 : memref<1x128xi32, #tpu.memory_space<vmem>> -> memref<128xi32, #tpu.memory_space<vmem>>
    %dma_wait3A_205 = arith.constant 0 : i32
    %dma_wait3A_206 = arith.constant 0 : i32
    %dma_wait3A_207 = tpu.memref_slice %arg2[%dma_wait3A_205, %dma_wait3A_206] : memref<26000x32xf32, #tpu.memory_space<hbm>> -> memref<26000x32xf32, #tpu.memory_space<hbm>>
    tpu.wait_indirect_dma semaphore(%arg7 : memref<!tpu.dma_semaphore, #tpu.memory_space<semaphore_mem>>) src(%dma_wait3A_207 : memref<26000x32xf32, #tpu.memory_space<hbm>>) dst(%dma_wait3A_201 : memref<128x32xf32, #tpu.memory_space<vmem>>)
    %dma_wait3A_208 = arith.constant 6 : i32
    %dma_wait3A_209 = arith.constant 1 : i32
    %dma_wait3A_210 = arith.constant 128 : i32
    %dma_wait3A_211 = arith.constant 0 : i32
    %dma_wait3A_212 = tpu.memref_slice %arg6[%dma_wait3A_209, %dma_wait3A_210, %dma_wait3A_211] : memref<2x640x32xf32, #tpu.memory_space<vmem>> -> memref<1x128x32xf32, #tpu.memory_space<vmem>>
    %dma_wait3A_213 = tpu.memref_squeeze %dma_wait3A_212 : memref<1x128x32xf32, #tpu.memory_space<vmem>> -> memref<128x32xf32, #tpu.memory_space<vmem>>
    %dma_wait3A_214 = arith.constant 0 : i32
    %dma_wait3A_215 = tpu.memref_slice %arg5[%dma_wait3A_208, %dma_wait3A_214] : memref<130x128xi32, #tpu.memory_space<vmem>> -> memref<1x128xi32, #tpu.memory_space<vmem>>
    %dma_wait3A_216 = tpu.memref_squeeze %dma_wait3A_215 : memref<1x128xi32, #tpu.memory_space<vmem>> -> memref<128xi32, #tpu.memory_space<vmem>>
    %dma_wait3A_217 = arith.constant 0 : i32
    %dma_wait3A_218 = arith.constant 0 : i32
    %dma_wait3A_219 = tpu.memref_slice %arg2[%dma_wait3A_217, %dma_wait3A_218] : memref<26000x32xf32, #tpu.memory_space<hbm>> -> memref<26000x32xf32, #tpu.memory_space<hbm>>
    tpu.wait_indirect_dma semaphore(%arg7 : memref<!tpu.dma_semaphore, #tpu.memory_space<semaphore_mem>>) src(%dma_wait3A_219 : memref<26000x32xf32, #tpu.memory_space<hbm>>) dst(%dma_wait3A_213 : memref<128x32xf32, #tpu.memory_space<vmem>>)
    %dma_wait3A_220 = arith.constant 7 : i32
    %dma_wait3A_221 = arith.constant 1 : i32
    %dma_wait3A_222 = arith.constant 256 : i32
    %dma_wait3A_223 = arith.constant 0 : i32
    %dma_wait3A_224 = tpu.memref_slice %arg6[%dma_wait3A_221, %dma_wait3A_222, %dma_wait3A_223] : memref<2x640x32xf32, #tpu.memory_space<vmem>> -> memref<1x128x32xf32, #tpu.memory_space<vmem>>
    %dma_wait3A_225 = tpu.memref_squeeze %dma_wait3A_224 : memref<1x128x32xf32, #tpu.memory_space<vmem>> -> memref<128x32xf32, #tpu.memory_space<vmem>>
    %dma_wait3A_226 = arith.constant 0 : i32
    %dma_wait3A_227 = tpu.memref_slice %arg5[%dma_wait3A_220, %dma_wait3A_226] : memref<130x128xi32, #tpu.memory_space<vmem>> -> memref<1x128xi32, #tpu.memory_space<vmem>>
    %dma_wait3A_228 = tpu.memref_squeeze %dma_wait3A_227 : memref<1x128xi32, #tpu.memory_space<vmem>> -> memref<128xi32, #tpu.memory_space<vmem>>
    %dma_wait3A_229 = arith.constant 0 : i32
    %dma_wait3A_230 = arith.constant 0 : i32
    %dma_wait3A_231 = tpu.memref_slice %arg2[%dma_wait3A_229, %dma_wait3A_230] : memref<26000x32xf32, #tpu.memory_space<hbm>> -> memref<26000x32xf32, #tpu.memory_space<hbm>>
    tpu.wait_indirect_dma semaphore(%arg7 : memref<!tpu.dma_semaphore, #tpu.memory_space<semaphore_mem>>) src(%dma_wait3A_231 : memref<26000x32xf32, #tpu.memory_space<hbm>>) dst(%dma_wait3A_225 : memref<128x32xf32, #tpu.memory_space<vmem>>)
    %dma_wait3A_232 = arith.constant 8 : i32
    %dma_wait3A_233 = arith.constant 1 : i32
    %dma_wait3A_234 = arith.constant 384 : i32
    %dma_wait3A_235 = arith.constant 0 : i32
    %dma_wait3A_236 = tpu.memref_slice %arg6[%dma_wait3A_233, %dma_wait3A_234, %dma_wait3A_235] : memref<2x640x32xf32, #tpu.memory_space<vmem>> -> memref<1x128x32xf32, #tpu.memory_space<vmem>>
    %dma_wait3A_237 = tpu.memref_squeeze %dma_wait3A_236 : memref<1x128x32xf32, #tpu.memory_space<vmem>> -> memref<128x32xf32, #tpu.memory_space<vmem>>
    %dma_wait3A_238 = arith.constant 0 : i32
    %dma_wait3A_239 = tpu.memref_slice %arg5[%dma_wait3A_232, %dma_wait3A_238] : memref<130x128xi32, #tpu.memory_space<vmem>> -> memref<1x128xi32, #tpu.memory_space<vmem>>
    %dma_wait3A_240 = tpu.memref_squeeze %dma_wait3A_239 : memref<1x128xi32, #tpu.memory_space<vmem>> -> memref<128xi32, #tpu.memory_space<vmem>>
    %dma_wait3A_241 = arith.constant 0 : i32
    %dma_wait3A_242 = arith.constant 0 : i32
    %dma_wait3A_243 = tpu.memref_slice %arg2[%dma_wait3A_241, %dma_wait3A_242] : memref<26000x32xf32, #tpu.memory_space<hbm>> -> memref<26000x32xf32, #tpu.memory_space<hbm>>
    tpu.wait_indirect_dma semaphore(%arg7 : memref<!tpu.dma_semaphore, #tpu.memory_space<semaphore_mem>>) src(%dma_wait3A_243 : memref<26000x32xf32, #tpu.memory_space<hbm>>) dst(%dma_wait3A_237 : memref<128x32xf32, #tpu.memory_space<vmem>>)
    %dma_wait3A_244 = arith.constant 9 : i32
    %dma_wait3A_245 = arith.constant 1 : i32
    %dma_wait3A_246 = arith.constant 512 : i32
    %dma_wait3A_247 = arith.constant 0 : i32
    %dma_wait3A_248 = tpu.memref_slice %arg6[%dma_wait3A_245, %dma_wait3A_246, %dma_wait3A_247] : memref<2x640x32xf32, #tpu.memory_space<vmem>> -> memref<1x128x32xf32, #tpu.memory_space<vmem>>
    %dma_wait3A_249 = tpu.memref_squeeze %dma_wait3A_248 : memref<1x128x32xf32, #tpu.memory_space<vmem>> -> memref<128x32xf32, #tpu.memory_space<vmem>>
    %dma_wait3A_250 = arith.constant 0 : i32
    %dma_wait3A_251 = tpu.memref_slice %arg5[%dma_wait3A_244, %dma_wait3A_250] : memref<130x128xi32, #tpu.memory_space<vmem>> -> memref<1x128xi32, #tpu.memory_space<vmem>>
    %dma_wait3A_252 = tpu.memref_squeeze %dma_wait3A_251 : memref<1x128xi32, #tpu.memory_space<vmem>> -> memref<128xi32, #tpu.memory_space<vmem>>
    %dma_wait3A_253 = arith.constant 0 : i32
    %dma_wait3A_254 = arith.constant 0 : i32
    %dma_wait3A_255 = tpu.memref_slice %arg2[%dma_wait3A_253, %dma_wait3A_254] : memref<26000x32xf32, #tpu.memory_space<hbm>> -> memref<26000x32xf32, #tpu.memory_space<hbm>>
    tpu.wait_indirect_dma semaphore(%arg7 : memref<!tpu.dma_semaphore, #tpu.memory_space<semaphore_mem>>) src(%dma_wait3A_255 : memref<26000x32xf32, #tpu.memory_space<hbm>>) dst(%dma_wait3A_249 : memref<128x32xf32, #tpu.memory_space<vmem>>)
    %add3A_256 = arith.constant 640 : i32
    %add3A_257 = arith.addi %mul3A_2, %add3A_256 : i32
    %dma_start3A_258 = arith.constant 1 : i32
    %dma_start3A_259 = arith.constant 0 : i32
    %dma_start3A_260 = arith.constant 0 : i32
    %dma_start3A_261 = tpu.memref_slice %arg6[%dma_start3A_258, %dma_start3A_259, %dma_start3A_260] : memref<2x640x32xf32, #tpu.memory_space<vmem>> -> memref<1x640x32xf32, #tpu.memory_space<vmem>>
    %dma_start3A_262 = tpu.memref_squeeze %dma_start3A_261 : memref<1x640x32xf32, #tpu.memory_space<vmem>> -> memref<640x32xf32, #tpu.memory_space<vmem>>
    %dma_start3A_263 = arith.constant 0 : i32
    %dma_start3A_264 = tpu.memref_slice %arg4[%add3A_257, %dma_start3A_263] : memref<532480x32xf32, #tpu.memory_space<hbm>> -> memref<640x32xf32, #tpu.memory_space<hbm>>
    %dma_start3A_265 = arith.constant 0 : i32
    %dma_start3A_266 = tpu.memref_slice %arg4[%add3A_257, %dma_start3A_265] : memref<532480x32xf32, #tpu.memory_space<hbm>> -> memref<640x32xf32, #tpu.memory_space<hbm>>
    %dma_start3A_267 = arith.constant 0 : i32
    %dma_start3A_268 = arith.constant 0 : i32
    %dma_start3A_269 = tpu.memref_slice %arg6[%dma_start3A_258, %dma_start3A_267, %dma_start3A_268] : memref<2x640x32xf32, #tpu.memory_space<vmem>> -> memref<1x640x32xf32, #tpu.memory_space<vmem>>
    %dma_start3A_270 = tpu.memref_squeeze %dma_start3A_269 : memref<1x640x32xf32, #tpu.memory_space<vmem>> -> memref<640x32xf32, #tpu.memory_space<vmem>>
    tpu.enqueue_dma source(%dma_start3A_270 : memref<640x32xf32, #tpu.memory_space<vmem>>) target(%dma_start3A_266 : memref<640x32xf32, #tpu.memory_space<hbm>>) target_semaphore(%arg9 : memref<!tpu.dma_semaphore, #tpu.memory_space<semaphore_mem>>)
    %scan3A = arith.constant 0 : i32
    %scan3A_271 = arith.constant 12 : i32
    %scan3A_272 = arith.addi %scan3A, %scan3A_271 : i32
    %scan3A_273 = arith.constant 1 : i32
    scf.for %scan3A_305 = %scan3A to %scan3A_272 step %scan3A_273  : i32 {
      %mul3A_306 = arith.constant 2 : i32
      %mul3A_307 = arith.muli %scan3A_305, %mul3A_306 : i32
      %add3A_308 = arith.constant 0 : i32
      %add3A_309 = arith.addi %add3A_308, %mul3A_307 : i32
      %add3A_310 = arith.constant 2 : i32
      %add3A_311 = arith.addi %add3A_309, %add3A_310 : i32
      %add3A_312 = arith.constant 0 : i32
      %add3A_313 = arith.addi %add3A_311, %add3A_312 : i32
      %mul3A_314 = arith.constant 640 : i32
      %mul3A_315 = arith.muli %add3A_313, %mul3A_314 : i32
      %add3A_316 = arith.addi %mul3A_2, %mul3A_315 : i32
      %dma_wait3A_317 = arith.constant 0 : i32
      %dma_wait3A_318 = arith.constant 0 : i32
      %dma_wait3A_319 = arith.constant 0 : i32
      %dma_wait3A_320 = tpu.memref_slice %arg6[%dma_wait3A_317, %dma_wait3A_318, %dma_wait3A_319] : memref<2x640x32xf32, #tpu.memory_space<vmem>> -> memref<1x640x32xf32, #tpu.memory_space<vmem>>
      %dma_wait3A_321 = tpu.memref_squeeze %dma_wait3A_320 : memref<1x640x32xf32, #tpu.memory_space<vmem>> -> memref<640x32xf32, #tpu.memory_space<vmem>>
      %dma_wait3A_322 = arith.constant 0 : i32
      %dma_wait3A_323 = tpu.memref_slice %arg4[%add3A_316, %dma_wait3A_322] : memref<532480x32xf32, #tpu.memory_space<hbm>> -> memref<640x32xf32, #tpu.memory_space<hbm>>
      %dma_wait3A_324 = arith.constant 0 : i32
      %dma_wait3A_325 = tpu.memref_slice %arg4[%add3A_316, %dma_wait3A_324] : memref<532480x32xf32, #tpu.memory_space<hbm>> -> memref<640x32xf32, #tpu.memory_space<hbm>>
      %dma_wait3A_326 = arith.constant 0 : i32
      %dma_wait3A_327 = arith.constant 0 : i32
      %dma_wait3A_328 = tpu.memref_slice %arg6[%dma_wait3A_317, %dma_wait3A_326, %dma_wait3A_327] : memref<2x640x32xf32, #tpu.memory_space<vmem>> -> memref<1x640x32xf32, #tpu.memory_space<vmem>>
      %dma_wait3A_329 = tpu.memref_squeeze %dma_wait3A_328 : memref<1x640x32xf32, #tpu.memory_space<vmem>> -> memref<640x32xf32, #tpu.memory_space<vmem>>
      tpu.wait_dma2 semaphore(%arg8 : memref<!tpu.dma_semaphore, #tpu.memory_space<semaphore_mem>>) src(%dma_wait3A_329 : memref<640x32xf32, #tpu.memory_space<vmem>>) dst(%dma_wait3A_325 : memref<640x32xf32, #tpu.memory_space<hbm>>)
      %mul3A_330 = arith.constant 5 : i32
      %mul3A_331 = arith.muli %add3A_313, %mul3A_330 : i32
      %add3A_332 = arith.constant 0 : i32
      %add3A_333 = arith.addi %mul3A_331, %add3A_332 : i32
      %dma_start3A_334 = arith.constant 0 : i32
      %dma_start3A_335 = arith.constant 0 : i32
      %dma_start3A_336 = arith.constant 0 : i32
      %dma_start3A_337 = tpu.memref_slice %arg6[%dma_start3A_334, %dma_start3A_335, %dma_start3A_336] : memref<2x640x32xf32, #tpu.memory_space<vmem>> -> memref<1x128x32xf32, #tpu.memory_space<vmem>>
      %dma_start3A_338 = tpu.memref_squeeze %dma_start3A_337 : memref<1x128x32xf32, #tpu.memory_space<vmem>> -> memref<128x32xf32, #tpu.memory_space<vmem>>
      %dma_start3A_339 = arith.constant 0 : i32
      %dma_start3A_340 = tpu.memref_slice %arg5[%add3A_333, %dma_start3A_339] : memref<130x128xi32, #tpu.memory_space<vmem>> -> memref<1x128xi32, #tpu.memory_space<vmem>>
      %dma_start3A_341 = tpu.memref_squeeze %dma_start3A_340 : memref<1x128xi32, #tpu.memory_space<vmem>> -> memref<128xi32, #tpu.memory_space<vmem>>
      %dma_start3A_342 = arith.constant 0 : i32
      %dma_start3A_343 = arith.constant 0 : i32
      %dma_start3A_344 = tpu.memref_slice %arg2[%dma_start3A_342, %dma_start3A_343] : memref<26000x32xf32, #tpu.memory_space<hbm>> -> memref<26000x32xf32, #tpu.memory_space<hbm>>
      tpu.enqueue_indirect_dma source(%dma_start3A_344 : memref<26000x32xf32, #tpu.memory_space<hbm>>) target(%dma_start3A_338 : memref<128x32xf32, #tpu.memory_space<vmem>>) offsets(%dma_start3A_341 : memref<128xi32, #tpu.memory_space<vmem>>) semaphore(%arg7 : memref<!tpu.dma_semaphore, #tpu.memory_space<semaphore_mem>>)
      %mul3A_345 = arith.constant 5 : i32
      %mul3A_346 = arith.muli %add3A_313, %mul3A_345 : i32
      %add3A_347 = arith.constant 1 : i32
      %add3A_348 = arith.addi %mul3A_346, %add3A_347 : i32
      %dma_start3A_349 = arith.constant 0 : i32
      %dma_start3A_350 = arith.constant 128 : i32
      %dma_start3A_351 = arith.constant 0 : i32
      %dma_start3A_352 = tpu.memref_slice %arg6[%dma_start3A_349, %dma_start3A_350, %dma_start3A_351] : memref<2x640x32xf32, #tpu.memory_space<vmem>> -> memref<1x128x32xf32, #tpu.memory_space<vmem>>
      %dma_start3A_353 = tpu.memref_squeeze %dma_start3A_352 : memref<1x128x32xf32, #tpu.memory_space<vmem>> -> memref<128x32xf32, #tpu.memory_space<vmem>>
      %dma_start3A_354 = arith.constant 0 : i32
      %dma_start3A_355 = tpu.memref_slice %arg5[%add3A_348, %dma_start3A_354] : memref<130x128xi32, #tpu.memory_space<vmem>> -> memref<1x128xi32, #tpu.memory_space<vmem>>
      %dma_start3A_356 = tpu.memref_squeeze %dma_start3A_355 : memref<1x128xi32, #tpu.memory_space<vmem>> -> memref<128xi32, #tpu.memory_space<vmem>>
      %dma_start3A_357 = arith.constant 0 : i32
      %dma_start3A_358 = arith.constant 0 : i32
      %dma_start3A_359 = tpu.memref_slice %arg2[%dma_start3A_357, %dma_start3A_358] : memref<26000x32xf32, #tpu.memory_space<hbm>> -> memref<26000x32xf32, #tpu.memory_space<hbm>>
      tpu.enqueue_indirect_dma source(%dma_start3A_359 : memref<26000x32xf32, #tpu.memory_space<hbm>>) target(%dma_start3A_353 : memref<128x32xf32, #tpu.memory_space<vmem>>) offsets(%dma_start3A_356 : memref<128xi32, #tpu.memory_space<vmem>>) semaphore(%arg7 : memref<!tpu.dma_semaphore, #tpu.memory_space<semaphore_mem>>)
      %mul3A_360 = arith.constant 5 : i32
      %mul3A_361 = arith.muli %add3A_313, %mul3A_360 : i32
      %add3A_362 = arith.constant 2 : i32
      %add3A_363 = arith.addi %mul3A_361, %add3A_362 : i32
      %dma_start3A_364 = arith.constant 0 : i32
      %dma_start3A_365 = arith.constant 256 : i32
      %dma_start3A_366 = arith.constant 0 : i32
      %dma_start3A_367 = tpu.memref_slice %arg6[%dma_start3A_364, %dma_start3A_365, %dma_start3A_366] : memref<2x640x32xf32, #tpu.memory_space<vmem>> -> memref<1x128x32xf32, #tpu.memory_space<vmem>>
      %dma_start3A_368 = tpu.memref_squeeze %dma_start3A_367 : memref<1x128x32xf32, #tpu.memory_space<vmem>> -> memref<128x32xf32, #tpu.memory_space<vmem>>
      %dma_start3A_369 = arith.constant 0 : i32
      %dma_start3A_370 = tpu.memref_slice %arg5[%add3A_363, %dma_start3A_369] : memref<130x128xi32, #tpu.memory_space<vmem>> -> memref<1x128xi32, #tpu.memory_space<vmem>>
      %dma_start3A_371 = tpu.memref_squeeze %dma_start3A_370 : memref<1x128xi32, #tpu.memory_space<vmem>> -> memref<128xi32, #tpu.memory_space<vmem>>
      %dma_start3A_372 = arith.constant 0 : i32
      %dma_start3A_373 = arith.constant 0 : i32
      %dma_start3A_374 = tpu.memref_slice %arg2[%dma_start3A_372, %dma_start3A_373] : memref<26000x32xf32, #tpu.memory_space<hbm>> -> memref<26000x32xf32, #tpu.memory_space<hbm>>
      tpu.enqueue_indirect_dma source(%dma_start3A_374 : memref<26000x32xf32, #tpu.memory_space<hbm>>) target(%dma_start3A_368 : memref<128x32xf32, #tpu.memory_space<vmem>>) offsets(%dma_start3A_371 : memref<128xi32, #tpu.memory_space<vmem>>) semaphore(%arg7 : memref<!tpu.dma_semaphore, #tpu.memory_space<semaphore_mem>>)
      %mul3A_375 = arith.constant 5 : i32
      %mul3A_376 = arith.muli %add3A_313, %mul3A_375 : i32
      %add3A_377 = arith.constant 3 : i32
      %add3A_378 = arith.addi %mul3A_376, %add3A_377 : i32
      %dma_start3A_379 = arith.constant 0 : i32
      %dma_start3A_380 = arith.constant 384 : i32
      %dma_start3A_381 = arith.constant 0 : i32
      %dma_start3A_382 = tpu.memref_slice %arg6[%dma_start3A_379, %dma_start3A_380, %dma_start3A_381] : memref<2x640x32xf32, #tpu.memory_space<vmem>> -> memref<1x128x32xf32, #tpu.memory_space<vmem>>
      %dma_start3A_383 = tpu.memref_squeeze %dma_start3A_382 : memref<1x128x32xf32, #tpu.memory_space<vmem>> -> memref<128x32xf32, #tpu.memory_space<vmem>>
      %dma_start3A_384 = arith.constant 0 : i32
      %dma_start3A_385 = tpu.memref_slice %arg5[%add3A_378, %dma_start3A_384] : memref<130x128xi32, #tpu.memory_space<vmem>> -> memref<1x128xi32, #tpu.memory_space<vmem>>
      %dma_start3A_386 = tpu.memref_squeeze %dma_start3A_385 : memref<1x128xi32, #tpu.memory_space<vmem>> -> memref<128xi32, #tpu.memory_space<vmem>>
      %dma_start3A_387 = arith.constant 0 : i32
      %dma_start3A_388 = arith.constant 0 : i32
      %dma_start3A_389 = tpu.memref_slice %arg2[%dma_start3A_387, %dma_start3A_388] : memref<26000x32xf32, #tpu.memory_space<hbm>> -> memref<26000x32xf32, #tpu.memory_space<hbm>>
      tpu.enqueue_indirect_dma source(%dma_start3A_389 : memref<26000x32xf32, #tpu.memory_space<hbm>>) target(%dma_start3A_383 : memref<128x32xf32, #tpu.memory_space<vmem>>) offsets(%dma_start3A_386 : memref<128xi32, #tpu.memory_space<vmem>>) semaphore(%arg7 : memref<!tpu.dma_semaphore, #tpu.memory_space<semaphore_mem>>)
      %mul3A_390 = arith.constant 5 : i32
      %mul3A_391 = arith.muli %add3A_313, %mul3A_390 : i32
      %add3A_392 = arith.constant 4 : i32
      %add3A_393 = arith.addi %mul3A_391, %add3A_392 : i32
      %dma_start3A_394 = arith.constant 0 : i32
      %dma_start3A_395 = arith.constant 512 : i32
      %dma_start3A_396 = arith.constant 0 : i32
      %dma_start3A_397 = tpu.memref_slice %arg6[%dma_start3A_394, %dma_start3A_395, %dma_start3A_396] : memref<2x640x32xf32, #tpu.memory_space<vmem>> -> memref<1x128x32xf32, #tpu.memory_space<vmem>>
      %dma_start3A_398 = tpu.memref_squeeze %dma_start3A_397 : memref<1x128x32xf32, #tpu.memory_space<vmem>> -> memref<128x32xf32, #tpu.memory_space<vmem>>
      %dma_start3A_399 = arith.constant 0 : i32
      %dma_start3A_400 = tpu.memref_slice %arg5[%add3A_393, %dma_start3A_399] : memref<130x128xi32, #tpu.memory_space<vmem>> -> memref<1x128xi32, #tpu.memory_space<vmem>>
      %dma_start3A_401 = tpu.memref_squeeze %dma_start3A_400 : memref<1x128xi32, #tpu.memory_space<vmem>> -> memref<128xi32, #tpu.memory_space<vmem>>
      %dma_start3A_402 = arith.constant 0 : i32
      %dma_start3A_403 = arith.constant 0 : i32
      %dma_start3A_404 = tpu.memref_slice %arg2[%dma_start3A_402, %dma_start3A_403] : memref<26000x32xf32, #tpu.memory_space<hbm>> -> memref<26000x32xf32, #tpu.memory_space<hbm>>
      tpu.enqueue_indirect_dma source(%dma_start3A_404 : memref<26000x32xf32, #tpu.memory_space<hbm>>) target(%dma_start3A_398 : memref<128x32xf32, #tpu.memory_space<vmem>>) offsets(%dma_start3A_401 : memref<128xi32, #tpu.memory_space<vmem>>) semaphore(%arg7 : memref<!tpu.dma_semaphore, #tpu.memory_space<semaphore_mem>>)
      %dma_wait3A_405 = arith.constant 0 : i32
      %dma_wait3A_406 = arith.constant 0 : i32
      %dma_wait3A_407 = arith.constant 0 : i32
      %dma_wait3A_408 = tpu.memref_slice %arg6[%dma_wait3A_405, %dma_wait3A_406, %dma_wait3A_407] : memref<2x640x32xf32, #tpu.memory_space<vmem>> -> memref<1x128x32xf32, #tpu.memory_space<vmem>>
      %dma_wait3A_409 = tpu.memref_squeeze %dma_wait3A_408 : memref<1x128x32xf32, #tpu.memory_space<vmem>> -> memref<128x32xf32, #tpu.memory_space<vmem>>
      %dma_wait3A_410 = arith.constant 0 : i32
      %dma_wait3A_411 = tpu.memref_slice %arg5[%add3A_333, %dma_wait3A_410] : memref<130x128xi32, #tpu.memory_space<vmem>> -> memref<1x128xi32, #tpu.memory_space<vmem>>
      %dma_wait3A_412 = tpu.memref_squeeze %dma_wait3A_411 : memref<1x128xi32, #tpu.memory_space<vmem>> -> memref<128xi32, #tpu.memory_space<vmem>>
      %dma_wait3A_413 = arith.constant 0 : i32
      %dma_wait3A_414 = arith.constant 0 : i32
      %dma_wait3A_415 = tpu.memref_slice %arg2[%dma_wait3A_413, %dma_wait3A_414] : memref<26000x32xf32, #tpu.memory_space<hbm>> -> memref<26000x32xf32, #tpu.memory_space<hbm>>
      tpu.wait_indirect_dma semaphore(%arg7 : memref<!tpu.dma_semaphore, #tpu.memory_space<semaphore_mem>>) src(%dma_wait3A_415 : memref<26000x32xf32, #tpu.memory_space<hbm>>) dst(%dma_wait3A_409 : memref<128x32xf32, #tpu.memory_space<vmem>>)
      %dma_wait3A_416 = arith.constant 0 : i32
      %dma_wait3A_417 = arith.constant 128 : i32
      %dma_wait3A_418 = arith.constant 0 : i32
      %dma_wait3A_419 = tpu.memref_slice %arg6[%dma_wait3A_416, %dma_wait3A_417, %dma_wait3A_418] : memref<2x640x32xf32, #tpu.memory_space<vmem>> -> memref<1x128x32xf32, #tpu.memory_space<vmem>>
      %dma_wait3A_420 = tpu.memref_squeeze %dma_wait3A_419 : memref<1x128x32xf32, #tpu.memory_space<vmem>> -> memref<128x32xf32, #tpu.memory_space<vmem>>
      %dma_wait3A_421 = arith.constant 0 : i32
      %dma_wait3A_422 = tpu.memref_slice %arg5[%add3A_348, %dma_wait3A_421] : memref<130x128xi32, #tpu.memory_space<vmem>> -> memref<1x128xi32, #tpu.memory_space<vmem>>
      %dma_wait3A_423 = tpu.memref_squeeze %dma_wait3A_422 : memref<1x128xi32, #tpu.memory_space<vmem>> -> memref<128xi32, #tpu.memory_space<vmem>>
      %dma_wait3A_424 = arith.constant 0 : i32
      %dma_wait3A_425 = arith.constant 0 : i32
      %dma_wait3A_426 = tpu.memref_slice %arg2[%dma_wait3A_424, %dma_wait3A_425] : memref<26000x32xf32, #tpu.memory_space<hbm>> -> memref<26000x32xf32, #tpu.memory_space<hbm>>
      tpu.wait_indirect_dma semaphore(%arg7 : memref<!tpu.dma_semaphore, #tpu.memory_space<semaphore_mem>>) src(%dma_wait3A_426 : memref<26000x32xf32, #tpu.memory_space<hbm>>) dst(%dma_wait3A_420 : memref<128x32xf32, #tpu.memory_space<vmem>>)
      %dma_wait3A_427 = arith.constant 0 : i32
      %dma_wait3A_428 = arith.constant 256 : i32
      %dma_wait3A_429 = arith.constant 0 : i32
      %dma_wait3A_430 = tpu.memref_slice %arg6[%dma_wait3A_427, %dma_wait3A_428, %dma_wait3A_429] : memref<2x640x32xf32, #tpu.memory_space<vmem>> -> memref<1x128x32xf32, #tpu.memory_space<vmem>>
      %dma_wait3A_431 = tpu.memref_squeeze %dma_wait3A_430 : memref<1x128x32xf32, #tpu.memory_space<vmem>> -> memref<128x32xf32, #tpu.memory_space<vmem>>
      %dma_wait3A_432 = arith.constant 0 : i32
      %dma_wait3A_433 = tpu.memref_slice %arg5[%add3A_363, %dma_wait3A_432] : memref<130x128xi32, #tpu.memory_space<vmem>> -> memref<1x128xi32, #tpu.memory_space<vmem>>
      %dma_wait3A_434 = tpu.memref_squeeze %dma_wait3A_433 : memref<1x128xi32, #tpu.memory_space<vmem>> -> memref<128xi32, #tpu.memory_space<vmem>>
      %dma_wait3A_435 = arith.constant 0 : i32
      %dma_wait3A_436 = arith.constant 0 : i32
      %dma_wait3A_437 = tpu.memref_slice %arg2[%dma_wait3A_435, %dma_wait3A_436] : memref<26000x32xf32, #tpu.memory_space<hbm>> -> memref<26000x32xf32, #tpu.memory_space<hbm>>
      tpu.wait_indirect_dma semaphore(%arg7 : memref<!tpu.dma_semaphore, #tpu.memory_space<semaphore_mem>>) src(%dma_wait3A_437 : memref<26000x32xf32, #tpu.memory_space<hbm>>) dst(%dma_wait3A_431 : memref<128x32xf32, #tpu.memory_space<vmem>>)
      %dma_wait3A_438 = arith.constant 0 : i32
      %dma_wait3A_439 = arith.constant 384 : i32
      %dma_wait3A_440 = arith.constant 0 : i32
      %dma_wait3A_441 = tpu.memref_slice %arg6[%dma_wait3A_438, %dma_wait3A_439, %dma_wait3A_440] : memref<2x640x32xf32, #tpu.memory_space<vmem>> -> memref<1x128x32xf32, #tpu.memory_space<vmem>>
      %dma_wait3A_442 = tpu.memref_squeeze %dma_wait3A_441 : memref<1x128x32xf32, #tpu.memory_space<vmem>> -> memref<128x32xf32, #tpu.memory_space<vmem>>
      %dma_wait3A_443 = arith.constant 0 : i32
      %dma_wait3A_444 = tpu.memref_slice %arg5[%add3A_378, %dma_wait3A_443] : memref<130x128xi32, #tpu.memory_space<vmem>> -> memref<1x128xi32, #tpu.memory_space<vmem>>
      %dma_wait3A_445 = tpu.memref_squeeze %dma_wait3A_444 : memref<1x128xi32, #tpu.memory_space<vmem>> -> memref<128xi32, #tpu.memory_space<vmem>>
      %dma_wait3A_446 = arith.constant 0 : i32
      %dma_wait3A_447 = arith.constant 0 : i32
      %dma_wait3A_448 = tpu.memref_slice %arg2[%dma_wait3A_446, %dma_wait3A_447] : memref<26000x32xf32, #tpu.memory_space<hbm>> -> memref<26000x32xf32, #tpu.memory_space<hbm>>
      tpu.wait_indirect_dma semaphore(%arg7 : memref<!tpu.dma_semaphore, #tpu.memory_space<semaphore_mem>>) src(%dma_wait3A_448 : memref<26000x32xf32, #tpu.memory_space<hbm>>) dst(%dma_wait3A_442 : memref<128x32xf32, #tpu.memory_space<vmem>>)
      %dma_wait3A_449 = arith.constant 0 : i32
      %dma_wait3A_450 = arith.constant 512 : i32
      %dma_wait3A_451 = arith.constant 0 : i32
      %dma_wait3A_452 = tpu.memref_slice %arg6[%dma_wait3A_449, %dma_wait3A_450, %dma_wait3A_451] : memref<2x640x32xf32, #tpu.memory_space<vmem>> -> memref<1x128x32xf32, #tpu.memory_space<vmem>>
      %dma_wait3A_453 = tpu.memref_squeeze %dma_wait3A_452 : memref<1x128x32xf32, #tpu.memory_space<vmem>> -> memref<128x32xf32, #tpu.memory_space<vmem>>
      %dma_wait3A_454 = arith.constant 0 : i32
      %dma_wait3A_455 = tpu.memref_slice %arg5[%add3A_393, %dma_wait3A_454] : memref<130x128xi32, #tpu.memory_space<vmem>> -> memref<1x128xi32, #tpu.memory_space<vmem>>
      %dma_wait3A_456 = tpu.memref_squeeze %dma_wait3A_455 : memref<1x128xi32, #tpu.memory_space<vmem>> -> memref<128xi32, #tpu.memory_space<vmem>>
      %dma_wait3A_457 = arith.constant 0 : i32
      %dma_wait3A_458 = arith.constant 0 : i32
      %dma_wait3A_459 = tpu.memref_slice %arg2[%dma_wait3A_457, %dma_wait3A_458] : memref<26000x32xf32, #tpu.memory_space<hbm>> -> memref<26000x32xf32, #tpu.memory_space<hbm>>
      tpu.wait_indirect_dma semaphore(%arg7 : memref<!tpu.dma_semaphore, #tpu.memory_space<semaphore_mem>>) src(%dma_wait3A_459 : memref<26000x32xf32, #tpu.memory_space<hbm>>) dst(%dma_wait3A_453 : memref<128x32xf32, #tpu.memory_space<vmem>>)
      %mul3A_460 = arith.constant 640 : i32
      %mul3A_461 = arith.muli %add3A_313, %mul3A_460 : i32
      %add3A_462 = arith.addi %mul3A_2, %mul3A_461 : i32
      %dma_start3A_463 = arith.constant 0 : i32
      %dma_start3A_464 = arith.constant 0 : i32
      %dma_start3A_465 = arith.constant 0 : i32
      %dma_start3A_466 = tpu.memref_slice %arg6[%dma_start3A_463, %dma_start3A_464, %dma_start3A_465] : memref<2x640x32xf32, #tpu.memory_space<vmem>> -> memref<1x640x32xf32, #tpu.memory_space<vmem>>
      %dma_start3A_467 = tpu.memref_squeeze %dma_start3A_466 : memref<1x640x32xf32, #tpu.memory_space<vmem>> -> memref<640x32xf32, #tpu.memory_space<vmem>>
      %dma_start3A_468 = arith.constant 0 : i32
      %dma_start3A_469 = tpu.memref_slice %arg4[%add3A_462, %dma_start3A_468] : memref<532480x32xf32, #tpu.memory_space<hbm>> -> memref<640x32xf32, #tpu.memory_space<hbm>>
      %dma_start3A_470 = arith.constant 0 : i32
      %dma_start3A_471 = tpu.memref_slice %arg4[%add3A_462, %dma_start3A_470] : memref<532480x32xf32, #tpu.memory_space<hbm>> -> memref<640x32xf32, #tpu.memory_space<hbm>>
      %dma_start3A_472 = arith.constant 0 : i32
      %dma_start3A_473 = arith.constant 0 : i32
      %dma_start3A_474 = tpu.memref_slice %arg6[%dma_start3A_463, %dma_start3A_472, %dma_start3A_473] : memref<2x640x32xf32, #tpu.memory_space<vmem>> -> memref<1x640x32xf32, #tpu.memory_space<vmem>>
      %dma_start3A_475 = tpu.memref_squeeze %dma_start3A_474 : memref<1x640x32xf32, #tpu.memory_space<vmem>> -> memref<640x32xf32, #tpu.memory_space<vmem>>
      tpu.enqueue_dma source(%dma_start3A_475 : memref<640x32xf32, #tpu.memory_space<vmem>>) target(%dma_start3A_471 : memref<640x32xf32, #tpu.memory_space<hbm>>) target_semaphore(%arg8 : memref<!tpu.dma_semaphore, #tpu.memory_space<semaphore_mem>>)
      %add3A_476 = arith.constant 2 : i32
      %add3A_477 = arith.addi %add3A_309, %add3A_476 : i32
      %add3A_478 = arith.constant 1 : i32
      %add3A_479 = arith.addi %add3A_477, %add3A_478 : i32
      %mul3A_480 = arith.constant 640 : i32
      %mul3A_481 = arith.muli %add3A_479, %mul3A_480 : i32
      %add3A_482 = arith.addi %mul3A_2, %mul3A_481 : i32
      %dma_wait3A_483 = arith.constant 1 : i32
      %dma_wait3A_484 = arith.constant 0 : i32
      %dma_wait3A_485 = arith.constant 0 : i32
      %dma_wait3A_486 = tpu.memref_slice %arg6[%dma_wait3A_483, %dma_wait3A_484, %dma_wait3A_485] : memref<2x640x32xf32, #tpu.memory_space<vmem>> -> memref<1x640x32xf32, #tpu.memory_space<vmem>>
      %dma_wait3A_487 = tpu.memref_squeeze %dma_wait3A_486 : memref<1x640x32xf32, #tpu.memory_space<vmem>> -> memref<640x32xf32, #tpu.memory_space<vmem>>
      %dma_wait3A_488 = arith.constant 0 : i32
      %dma_wait3A_489 = tpu.memref_slice %arg4[%add3A_482, %dma_wait3A_488] : memref<532480x32xf32, #tpu.memory_space<hbm>> -> memref<640x32xf32, #tpu.memory_space<hbm>>
      %dma_wait3A_490 = arith.constant 0 : i32
      %dma_wait3A_491 = tpu.memref_slice %arg4[%add3A_482, %dma_wait3A_490] : memref<532480x32xf32, #tpu.memory_space<hbm>> -> memref<640x32xf32, #tpu.memory_space<hbm>>
      %dma_wait3A_492 = arith.constant 0 : i32
      %dma_wait3A_493 = arith.constant 0 : i32
      %dma_wait3A_494 = tpu.memref_slice %arg6[%dma_wait3A_483, %dma_wait3A_492, %dma_wait3A_493] : memref<2x640x32xf32, #tpu.memory_space<vmem>> -> memref<1x640x32xf32, #tpu.memory_space<vmem>>
      %dma_wait3A_495 = tpu.memref_squeeze %dma_wait3A_494 : memref<1x640x32xf32, #tpu.memory_space<vmem>> -> memref<640x32xf32, #tpu.memory_space<vmem>>
      tpu.wait_dma2 semaphore(%arg9 : memref<!tpu.dma_semaphore, #tpu.memory_space<semaphore_mem>>) src(%dma_wait3A_495 : memref<640x32xf32, #tpu.memory_space<vmem>>) dst(%dma_wait3A_491 : memref<640x32xf32, #tpu.memory_space<hbm>>)
      %mul3A_496 = arith.constant 5 : i32
      %mul3A_497 = arith.muli %add3A_479, %mul3A_496 : i32
      %add3A_498 = arith.constant 0 : i32
      %add3A_499 = arith.addi %mul3A_497, %add3A_498 : i32
      %dma_start3A_500 = arith.constant 1 : i32
      %dma_start3A_501 = arith.constant 0 : i32
      %dma_start3A_502 = arith.constant 0 : i32
      %dma_start3A_503 = tpu.memref_slice %arg6[%dma_start3A_500, %dma_start3A_501, %dma_start3A_502] : memref<2x640x32xf32, #tpu.memory_space<vmem>> -> memref<1x128x32xf32, #tpu.memory_space<vmem>>
      %dma_start3A_504 = tpu.memref_squeeze %dma_start3A_503 : memref<1x128x32xf32, #tpu.memory_space<vmem>> -> memref<128x32xf32, #tpu.memory_space<vmem>>
      %dma_start3A_505 = arith.constant 0 : i32
      %dma_start3A_506 = tpu.memref_slice %arg5[%add3A_499, %dma_start3A_505] : memref<130x128xi32, #tpu.memory_space<vmem>> -> memref<1x128xi32, #tpu.memory_space<vmem>>
      %dma_start3A_507 = tpu.memref_squeeze %dma_start3A_506 : memref<1x128xi32, #tpu.memory_space<vmem>> -> memref<128xi32, #tpu.memory_space<vmem>>
      %dma_start3A_508 = arith.constant 0 : i32
      %dma_start3A_509 = arith.constant 0 : i32
      %dma_start3A_510 = tpu.memref_slice %arg2[%dma_start3A_508, %dma_start3A_509] : memref<26000x32xf32, #tpu.memory_space<hbm>> -> memref<26000x32xf32, #tpu.memory_space<hbm>>
      tpu.enqueue_indirect_dma source(%dma_start3A_510 : memref<26000x32xf32, #tpu.memory_space<hbm>>) target(%dma_start3A_504 : memref<128x32xf32, #tpu.memory_space<vmem>>) offsets(%dma_start3A_507 : memref<128xi32, #tpu.memory_space<vmem>>) semaphore(%arg7 : memref<!tpu.dma_semaphore, #tpu.memory_space<semaphore_mem>>)
      %mul3A_511 = arith.constant 5 : i32
      %mul3A_512 = arith.muli %add3A_479, %mul3A_511 : i32
      %add3A_513 = arith.constant 1 : i32
      %add3A_514 = arith.addi %mul3A_512, %add3A_513 : i32
      %dma_start3A_515 = arith.constant 1 : i32
      %dma_start3A_516 = arith.constant 128 : i32
      %dma_start3A_517 = arith.constant 0 : i32
      %dma_start3A_518 = tpu.memref_slice %arg6[%dma_start3A_515, %dma_start3A_516, %dma_start3A_517] : memref<2x640x32xf32, #tpu.memory_space<vmem>> -> memref<1x128x32xf32, #tpu.memory_space<vmem>>
      %dma_start3A_519 = tpu.memref_squeeze %dma_start3A_518 : memref<1x128x32xf32, #tpu.memory_space<vmem>> -> memref<128x32xf32, #tpu.memory_space<vmem>>
      %dma_start3A_520 = arith.constant 0 : i32
      %dma_start3A_521 = tpu.memref_slice %arg5[%add3A_514, %dma_start3A_520] : memref<130x128xi32, #tpu.memory_space<vmem>> -> memref<1x128xi32, #tpu.memory_space<vmem>>
      %dma_start3A_522 = tpu.memref_squeeze %dma_start3A_521 : memref<1x128xi32, #tpu.memory_space<vmem>> -> memref<128xi32, #tpu.memory_space<vmem>>
      %dma_start3A_523 = arith.constant 0 : i32
      %dma_start3A_524 = arith.constant 0 : i32
      %dma_start3A_525 = tpu.memref_slice %arg2[%dma_start3A_523, %dma_start3A_524] : memref<26000x32xf32, #tpu.memory_space<hbm>> -> memref<26000x32xf32, #tpu.memory_space<hbm>>
      tpu.enqueue_indirect_dma source(%dma_start3A_525 : memref<26000x32xf32, #tpu.memory_space<hbm>>) target(%dma_start3A_519 : memref<128x32xf32, #tpu.memory_space<vmem>>) offsets(%dma_start3A_522 : memref<128xi32, #tpu.memory_space<vmem>>) semaphore(%arg7 : memref<!tpu.dma_semaphore, #tpu.memory_space<semaphore_mem>>)
      %mul3A_526 = arith.constant 5 : i32
      %mul3A_527 = arith.muli %add3A_479, %mul3A_526 : i32
      %add3A_528 = arith.constant 2 : i32
      %add3A_529 = arith.addi %mul3A_527, %add3A_528 : i32
      %dma_start3A_530 = arith.constant 1 : i32
      %dma_start3A_531 = arith.constant 256 : i32
      %dma_start3A_532 = arith.constant 0 : i32
      %dma_start3A_533 = tpu.memref_slice %arg6[%dma_start3A_530, %dma_start3A_531, %dma_start3A_532] : memref<2x640x32xf32, #tpu.memory_space<vmem>> -> memref<1x128x32xf32, #tpu.memory_space<vmem>>
      %dma_start3A_534 = tpu.memref_squeeze %dma_start3A_533 : memref<1x128x32xf32, #tpu.memory_space<vmem>> -> memref<128x32xf32, #tpu.memory_space<vmem>>
      %dma_start3A_535 = arith.constant 0 : i32
      %dma_start3A_536 = tpu.memref_slice %arg5[%add3A_529, %dma_start3A_535] : memref<130x128xi32, #tpu.memory_space<vmem>> -> memref<1x128xi32, #tpu.memory_space<vmem>>
      %dma_start3A_537 = tpu.memref_squeeze %dma_start3A_536 : memref<1x128xi32, #tpu.memory_space<vmem>> -> memref<128xi32, #tpu.memory_space<vmem>>
      %dma_start3A_538 = arith.constant 0 : i32
      %dma_start3A_539 = arith.constant 0 : i32
      %dma_start3A_540 = tpu.memref_slice %arg2[%dma_start3A_538, %dma_start3A_539] : memref<26000x32xf32, #tpu.memory_space<hbm>> -> memref<26000x32xf32, #tpu.memory_space<hbm>>
      tpu.enqueue_indirect_dma source(%dma_start3A_540 : memref<26000x32xf32, #tpu.memory_space<hbm>>) target(%dma_start3A_534 : memref<128x32xf32, #tpu.memory_space<vmem>>) offsets(%dma_start3A_537 : memref<128xi32, #tpu.memory_space<vmem>>) semaphore(%arg7 : memref<!tpu.dma_semaphore, #tpu.memory_space<semaphore_mem>>)
      %mul3A_541 = arith.constant 5 : i32
      %mul3A_542 = arith.muli %add3A_479, %mul3A_541 : i32
      %add3A_543 = arith.constant 3 : i32
      %add3A_544 = arith.addi %mul3A_542, %add3A_543 : i32
      %dma_start3A_545 = arith.constant 1 : i32
      %dma_start3A_546 = arith.constant 384 : i32
      %dma_start3A_547 = arith.constant 0 : i32
      %dma_start3A_548 = tpu.memref_slice %arg6[%dma_start3A_545, %dma_start3A_546, %dma_start3A_547] : memref<2x640x32xf32, #tpu.memory_space<vmem>> -> memref<1x128x32xf32, #tpu.memory_space<vmem>>
      %dma_start3A_549 = tpu.memref_squeeze %dma_start3A_548 : memref<1x128x32xf32, #tpu.memory_space<vmem>> -> memref<128x32xf32, #tpu.memory_space<vmem>>
      %dma_start3A_550 = arith.constant 0 : i32
      %dma_start3A_551 = tpu.memref_slice %arg5[%add3A_544, %dma_start3A_550] : memref<130x128xi32, #tpu.memory_space<vmem>> -> memref<1x128xi32, #tpu.memory_space<vmem>>
      %dma_start3A_552 = tpu.memref_squeeze %dma_start3A_551 : memref<1x128xi32, #tpu.memory_space<vmem>> -> memref<128xi32, #tpu.memory_space<vmem>>
      %dma_start3A_553 = arith.constant 0 : i32
      %dma_start3A_554 = arith.constant 0 : i32
      %dma_start3A_555 = tpu.memref_slice %arg2[%dma_start3A_553, %dma_start3A_554] : memref<26000x32xf32, #tpu.memory_space<hbm>> -> memref<26000x32xf32, #tpu.memory_space<hbm>>
      tpu.enqueue_indirect_dma source(%dma_start3A_555 : memref<26000x32xf32, #tpu.memory_space<hbm>>) target(%dma_start3A_549 : memref<128x32xf32, #tpu.memory_space<vmem>>) offsets(%dma_start3A_552 : memref<128xi32, #tpu.memory_space<vmem>>) semaphore(%arg7 : memref<!tpu.dma_semaphore, #tpu.memory_space<semaphore_mem>>)
      %mul3A_556 = arith.constant 5 : i32
      %mul3A_557 = arith.muli %add3A_479, %mul3A_556 : i32
      %add3A_558 = arith.constant 4 : i32
      %add3A_559 = arith.addi %mul3A_557, %add3A_558 : i32
      %dma_start3A_560 = arith.constant 1 : i32
      %dma_start3A_561 = arith.constant 512 : i32
      %dma_start3A_562 = arith.constant 0 : i32
      %dma_start3A_563 = tpu.memref_slice %arg6[%dma_start3A_560, %dma_start3A_561, %dma_start3A_562] : memref<2x640x32xf32, #tpu.memory_space<vmem>> -> memref<1x128x32xf32, #tpu.memory_space<vmem>>
      %dma_start3A_564 = tpu.memref_squeeze %dma_start3A_563 : memref<1x128x32xf32, #tpu.memory_space<vmem>> -> memref<128x32xf32, #tpu.memory_space<vmem>>
      %dma_start3A_565 = arith.constant 0 : i32
      %dma_start3A_566 = tpu.memref_slice %arg5[%add3A_559, %dma_start3A_565] : memref<130x128xi32, #tpu.memory_space<vmem>> -> memref<1x128xi32, #tpu.memory_space<vmem>>
      %dma_start3A_567 = tpu.memref_squeeze %dma_start3A_566 : memref<1x128xi32, #tpu.memory_space<vmem>> -> memref<128xi32, #tpu.memory_space<vmem>>
      %dma_start3A_568 = arith.constant 0 : i32
      %dma_start3A_569 = arith.constant 0 : i32
      %dma_start3A_570 = tpu.memref_slice %arg2[%dma_start3A_568, %dma_start3A_569] : memref<26000x32xf32, #tpu.memory_space<hbm>> -> memref<26000x32xf32, #tpu.memory_space<hbm>>
      tpu.enqueue_indirect_dma source(%dma_start3A_570 : memref<26000x32xf32, #tpu.memory_space<hbm>>) target(%dma_start3A_564 : memref<128x32xf32, #tpu.memory_space<vmem>>) offsets(%dma_start3A_567 : memref<128xi32, #tpu.memory_space<vmem>>) semaphore(%arg7 : memref<!tpu.dma_semaphore, #tpu.memory_space<semaphore_mem>>)
      %dma_wait3A_571 = arith.constant 1 : i32
      %dma_wait3A_572 = arith.constant 0 : i32
      %dma_wait3A_573 = arith.constant 0 : i32
      %dma_wait3A_574 = tpu.memref_slice %arg6[%dma_wait3A_571, %dma_wait3A_572, %dma_wait3A_573] : memref<2x640x32xf32, #tpu.memory_space<vmem>> -> memref<1x128x32xf32, #tpu.memory_space<vmem>>
      %dma_wait3A_575 = tpu.memref_squeeze %dma_wait3A_574 : memref<1x128x32xf32, #tpu.memory_space<vmem>> -> memref<128x32xf32, #tpu.memory_space<vmem>>
      %dma_wait3A_576 = arith.constant 0 : i32
      %dma_wait3A_577 = tpu.memref_slice %arg5[%add3A_499, %dma_wait3A_576] : memref<130x128xi32, #tpu.memory_space<vmem>> -> memref<1x128xi32, #tpu.memory_space<vmem>>
      %dma_wait3A_578 = tpu.memref_squeeze %dma_wait3A_577 : memref<1x128xi32, #tpu.memory_space<vmem>> -> memref<128xi32, #tpu.memory_space<vmem>>
      %dma_wait3A_579 = arith.constant 0 : i32
      %dma_wait3A_580 = arith.constant 0 : i32
      %dma_wait3A_581 = tpu.memref_slice %arg2[%dma_wait3A_579, %dma_wait3A_580] : memref<26000x32xf32, #tpu.memory_space<hbm>> -> memref<26000x32xf32, #tpu.memory_space<hbm>>
      tpu.wait_indirect_dma semaphore(%arg7 : memref<!tpu.dma_semaphore, #tpu.memory_space<semaphore_mem>>) src(%dma_wait3A_581 : memref<26000x32xf32, #tpu.memory_space<hbm>>) dst(%dma_wait3A_575 : memref<128x32xf32, #tpu.memory_space<vmem>>)
      %dma_wait3A_582 = arith.constant 1 : i32
      %dma_wait3A_583 = arith.constant 128 : i32
      %dma_wait3A_584 = arith.constant 0 : i32
      %dma_wait3A_585 = tpu.memref_slice %arg6[%dma_wait3A_582, %dma_wait3A_583, %dma_wait3A_584] : memref<2x640x32xf32, #tpu.memory_space<vmem>> -> memref<1x128x32xf32, #tpu.memory_space<vmem>>
      %dma_wait3A_586 = tpu.memref_squeeze %dma_wait3A_585 : memref<1x128x32xf32, #tpu.memory_space<vmem>> -> memref<128x32xf32, #tpu.memory_space<vmem>>
      %dma_wait3A_587 = arith.constant 0 : i32
      %dma_wait3A_588 = tpu.memref_slice %arg5[%add3A_514, %dma_wait3A_587] : memref<130x128xi32, #tpu.memory_space<vmem>> -> memref<1x128xi32, #tpu.memory_space<vmem>>
      %dma_wait3A_589 = tpu.memref_squeeze %dma_wait3A_588 : memref<1x128xi32, #tpu.memory_space<vmem>> -> memref<128xi32, #tpu.memory_space<vmem>>
      %dma_wait3A_590 = arith.constant 0 : i32
      %dma_wait3A_591 = arith.constant 0 : i32
      %dma_wait3A_592 = tpu.memref_slice %arg2[%dma_wait3A_590, %dma_wait3A_591] : memref<26000x32xf32, #tpu.memory_space<hbm>> -> memref<26000x32xf32, #tpu.memory_space<hbm>>
      tpu.wait_indirect_dma semaphore(%arg7 : memref<!tpu.dma_semaphore, #tpu.memory_space<semaphore_mem>>) src(%dma_wait3A_592 : memref<26000x32xf32, #tpu.memory_space<hbm>>) dst(%dma_wait3A_586 : memref<128x32xf32, #tpu.memory_space<vmem>>)
      %dma_wait3A_593 = arith.constant 1 : i32
      %dma_wait3A_594 = arith.constant 256 : i32
      %dma_wait3A_595 = arith.constant 0 : i32
      %dma_wait3A_596 = tpu.memref_slice %arg6[%dma_wait3A_593, %dma_wait3A_594, %dma_wait3A_595] : memref<2x640x32xf32, #tpu.memory_space<vmem>> -> memref<1x128x32xf32, #tpu.memory_space<vmem>>
      %dma_wait3A_597 = tpu.memref_squeeze %dma_wait3A_596 : memref<1x128x32xf32, #tpu.memory_space<vmem>> -> memref<128x32xf32, #tpu.memory_space<vmem>>
      %dma_wait3A_598 = arith.constant 0 : i32
      %dma_wait3A_599 = tpu.memref_slice %arg5[%add3A_529, %dma_wait3A_598] : memref<130x128xi32, #tpu.memory_space<vmem>> -> memref<1x128xi32, #tpu.memory_space<vmem>>
      %dma_wait3A_600 = tpu.memref_squeeze %dma_wait3A_599 : memref<1x128xi32, #tpu.memory_space<vmem>> -> memref<128xi32, #tpu.memory_space<vmem>>
      %dma_wait3A_601 = arith.constant 0 : i32
      %dma_wait3A_602 = arith.constant 0 : i32
      %dma_wait3A_603 = tpu.memref_slice %arg2[%dma_wait3A_601, %dma_wait3A_602] : memref<26000x32xf32, #tpu.memory_space<hbm>> -> memref<26000x32xf32, #tpu.memory_space<hbm>>
      tpu.wait_indirect_dma semaphore(%arg7 : memref<!tpu.dma_semaphore, #tpu.memory_space<semaphore_mem>>) src(%dma_wait3A_603 : memref<26000x32xf32, #tpu.memory_space<hbm>>) dst(%dma_wait3A_597 : memref<128x32xf32, #tpu.memory_space<vmem>>)
      %dma_wait3A_604 = arith.constant 1 : i32
      %dma_wait3A_605 = arith.constant 384 : i32
      %dma_wait3A_606 = arith.constant 0 : i32
      %dma_wait3A_607 = tpu.memref_slice %arg6[%dma_wait3A_604, %dma_wait3A_605, %dma_wait3A_606] : memref<2x640x32xf32, #tpu.memory_space<vmem>> -> memref<1x128x32xf32, #tpu.memory_space<vmem>>
      %dma_wait3A_608 = tpu.memref_squeeze %dma_wait3A_607 : memref<1x128x32xf32, #tpu.memory_space<vmem>> -> memref<128x32xf32, #tpu.memory_space<vmem>>
      %dma_wait3A_609 = arith.constant 0 : i32
      %dma_wait3A_610 = tpu.memref_slice %arg5[%add3A_544, %dma_wait3A_609] : memref<130x128xi32, #tpu.memory_space<vmem>> -> memref<1x128xi32, #tpu.memory_space<vmem>>
      %dma_wait3A_611 = tpu.memref_squeeze %dma_wait3A_610 : memref<1x128xi32, #tpu.memory_space<vmem>> -> memref<128xi32, #tpu.memory_space<vmem>>
      %dma_wait3A_612 = arith.constant 0 : i32
      %dma_wait3A_613 = arith.constant 0 : i32
      %dma_wait3A_614 = tpu.memref_slice %arg2[%dma_wait3A_612, %dma_wait3A_613] : memref<26000x32xf32, #tpu.memory_space<hbm>> -> memref<26000x32xf32, #tpu.memory_space<hbm>>
      tpu.wait_indirect_dma semaphore(%arg7 : memref<!tpu.dma_semaphore, #tpu.memory_space<semaphore_mem>>) src(%dma_wait3A_614 : memref<26000x32xf32, #tpu.memory_space<hbm>>) dst(%dma_wait3A_608 : memref<128x32xf32, #tpu.memory_space<vmem>>)
      %dma_wait3A_615 = arith.constant 1 : i32
      %dma_wait3A_616 = arith.constant 512 : i32
      %dma_wait3A_617 = arith.constant 0 : i32
      %dma_wait3A_618 = tpu.memref_slice %arg6[%dma_wait3A_615, %dma_wait3A_616, %dma_wait3A_617] : memref<2x640x32xf32, #tpu.memory_space<vmem>> -> memref<1x128x32xf32, #tpu.memory_space<vmem>>
      %dma_wait3A_619 = tpu.memref_squeeze %dma_wait3A_618 : memref<1x128x32xf32, #tpu.memory_space<vmem>> -> memref<128x32xf32, #tpu.memory_space<vmem>>
      %dma_wait3A_620 = arith.constant 0 : i32
      %dma_wait3A_621 = tpu.memref_slice %arg5[%add3A_559, %dma_wait3A_620] : memref<130x128xi32, #tpu.memory_space<vmem>> -> memref<1x128xi32, #tpu.memory_space<vmem>>
      %dma_wait3A_622 = tpu.memref_squeeze %dma_wait3A_621 : memref<1x128xi32, #tpu.memory_space<vmem>> -> memref<128xi32, #tpu.memory_space<vmem>>
      %dma_wait3A_623 = arith.constant 0 : i32
      %dma_wait3A_624 = arith.constant 0 : i32
      %dma_wait3A_625 = tpu.memref_slice %arg2[%dma_wait3A_623, %dma_wait3A_624] : memref<26000x32xf32, #tpu.memory_space<hbm>> -> memref<26000x32xf32, #tpu.memory_space<hbm>>
      tpu.wait_indirect_dma semaphore(%arg7 : memref<!tpu.dma_semaphore, #tpu.memory_space<semaphore_mem>>) src(%dma_wait3A_625 : memref<26000x32xf32, #tpu.memory_space<hbm>>) dst(%dma_wait3A_619 : memref<128x32xf32, #tpu.memory_space<vmem>>)
      %mul3A_626 = arith.constant 640 : i32
      %mul3A_627 = arith.muli %add3A_479, %mul3A_626 : i32
      %add3A_628 = arith.addi %mul3A_2, %mul3A_627 : i32
      %dma_start3A_629 = arith.constant 1 : i32
      %dma_start3A_630 = arith.constant 0 : i32
      %dma_start3A_631 = arith.constant 0 : i32
      %dma_start3A_632 = tpu.memref_slice %arg6[%dma_start3A_629, %dma_start3A_630, %dma_start3A_631] : memref<2x640x32xf32, #tpu.memory_space<vmem>> -> memref<1x640x32xf32, #tpu.memory_space<vmem>>
      %dma_start3A_633 = tpu.memref_squeeze %dma_start3A_632 : memref<1x640x32xf32, #tpu.memory_space<vmem>> -> memref<640x32xf32, #tpu.memory_space<vmem>>
      %dma_start3A_634 = arith.constant 0 : i32
      %dma_start3A_635 = tpu.memref_slice %arg4[%add3A_628, %dma_start3A_634] : memref<532480x32xf32, #tpu.memory_space<hbm>> -> memref<640x32xf32, #tpu.memory_space<hbm>>
      %dma_start3A_636 = arith.constant 0 : i32
      %dma_start3A_637 = tpu.memref_slice %arg4[%add3A_628, %dma_start3A_636] : memref<532480x32xf32, #tpu.memory_space<hbm>> -> memref<640x32xf32, #tpu.memory_space<hbm>>
      %dma_start3A_638 = arith.constant 0 : i32
      %dma_start3A_639 = arith.constant 0 : i32
      %dma_start3A_640 = tpu.memref_slice %arg6[%dma_start3A_629, %dma_start3A_638, %dma_start3A_639] : memref<2x640x32xf32, #tpu.memory_space<vmem>> -> memref<1x640x32xf32, #tpu.memory_space<vmem>>
      %dma_start3A_641 = tpu.memref_squeeze %dma_start3A_640 : memref<1x640x32xf32, #tpu.memory_space<vmem>> -> memref<640x32xf32, #tpu.memory_space<vmem>>
      tpu.enqueue_dma source(%dma_start3A_641 : memref<640x32xf32, #tpu.memory_space<vmem>>) target(%dma_start3A_637 : memref<640x32xf32, #tpu.memory_space<hbm>>) target_semaphore(%arg9 : memref<!tpu.dma_semaphore, #tpu.memory_space<semaphore_mem>>)
    }
    %scan3A_274 = arith.constant 12 : i32
    %add3A_275 = arith.constant 15360 : i32
    %add3A_276 = arith.addi %mul3A_2, %add3A_275 : i32
    %dma_wait3A_277 = arith.constant 0 : i32
    %dma_wait3A_278 = arith.constant 0 : i32
    %dma_wait3A_279 = arith.constant 0 : i32
    %dma_wait3A_280 = tpu.memref_slice %arg6[%dma_wait3A_277, %dma_wait3A_278, %dma_wait3A_279] : memref<2x640x32xf32, #tpu.memory_space<vmem>> -> memref<1x640x32xf32, #tpu.memory_space<vmem>>
    %dma_wait3A_281 = tpu.memref_squeeze %dma_wait3A_280 : memref<1x640x32xf32, #tpu.memory_space<vmem>> -> memref<640x32xf32, #tpu.memory_space<vmem>>
    %dma_wait3A_282 = arith.constant 0 : i32
    %dma_wait3A_283 = tpu.memref_slice %arg4[%add3A_276, %dma_wait3A_282] : memref<532480x32xf32, #tpu.memory_space<hbm>> -> memref<640x32xf32, #tpu.memory_space<hbm>>
    %dma_wait3A_284 = arith.constant 0 : i32
    %dma_wait3A_285 = tpu.memref_slice %arg4[%add3A_276, %dma_wait3A_284] : memref<532480x32xf32, #tpu.memory_space<hbm>> -> memref<640x32xf32, #tpu.memory_space<hbm>>
    %dma_wait3A_286 = arith.constant 0 : i32
    %dma_wait3A_287 = arith.constant 0 : i32
    %dma_wait3A_288 = tpu.memref_slice %arg6[%dma_wait3A_277, %dma_wait3A_286, %dma_wait3A_287] : memref<2x640x32xf32, #tpu.memory_space<vmem>> -> memref<1x640x32xf32, #tpu.memory_space<vmem>>
    %dma_wait3A_289 = tpu.memref_squeeze %dma_wait3A_288 : memref<1x640x32xf32, #tpu.memory_space<vmem>> -> memref<640x32xf32, #tpu.memory_space<vmem>>
    tpu.wait_dma2 semaphore(%arg8 : memref<!tpu.dma_semaphore, #tpu.memory_space<semaphore_mem>>) src(%dma_wait3A_289 : memref<640x32xf32, #tpu.memory_space<vmem>>) dst(%dma_wait3A_285 : memref<640x32xf32, #tpu.memory_space<hbm>>)
    %add3A_290 = arith.constant 16000 : i32
    %add3A_291 = arith.addi %mul3A_2, %add3A_290 : i32
    %dma_wait3A_292 = arith.constant 1 : i32
    %dma_wait3A_293 = arith.constant 0 : i32
    %dma_wait3A_294 = arith.constant 0 : i32
    %dma_wait3A_295 = tpu.memref_slice %arg6[%dma_wait3A_292, %dma_wait3A_293, %dma_wait3A_294] : memref<2x640x32xf32, #tpu.memory_space<vmem>> -> memref<1x640x32xf32, #tpu.memory_space<vmem>>
    %dma_wait3A_296 = tpu.memref_squeeze %dma_wait3A_295 : memref<1x640x32xf32, #tpu.memory_space<vmem>> -> memref<640x32xf32, #tpu.memory_space<vmem>>
    %dma_wait3A_297 = arith.constant 0 : i32
    %dma_wait3A_298 = tpu.memref_slice %arg4[%add3A_291, %dma_wait3A_297] : memref<532480x32xf32, #tpu.memory_space<hbm>> -> memref<640x32xf32, #tpu.memory_space<hbm>>
    %dma_wait3A_299 = arith.constant 0 : i32
    %dma_wait3A_300 = tpu.memref_slice %arg4[%add3A_291, %dma_wait3A_299] : memref<532480x32xf32, #tpu.memory_space<hbm>> -> memref<640x32xf32, #tpu.memory_space<hbm>>
    %dma_wait3A_301 = arith.constant 0 : i32
    %dma_wait3A_302 = arith.constant 0 : i32
    %dma_wait3A_303 = tpu.memref_slice %arg6[%dma_wait3A_292, %dma_wait3A_301, %dma_wait3A_302] : memref<2x640x32xf32, #tpu.memory_space<vmem>> -> memref<1x640x32xf32, #tpu.memory_space<vmem>>
    %dma_wait3A_304 = tpu.memref_squeeze %dma_wait3A_303 : memref<1x640x32xf32, #tpu.memory_space<vmem>> -> memref<640x32xf32, #tpu.memory_space<vmem>>
    tpu.wait_dma2 semaphore(%arg9 : memref<!tpu.dma_semaphore, #tpu.memory_space<semaphore_mem>>) src(%dma_wait3A_304 : memref<640x32xf32, #tpu.memory_space<vmem>>) dst(%dma_wait3A_300 : memref<640x32xf32, #tpu.memory_space<hbm>>)
    return
  }
}

</mosaic_0001>

<sc_bundles>
// kernel: _embed.3.cloned.1.call-start
scs
__scs_entry_jumppad:
0x0: {  	(pc) =	sbr.rel $0x88, $3  }
0x1: {  	(tag) =	ssettag $0x0;
	lr =	simm.s32 $0x1  }
0x2: {  	[smem:$0x3F9F] =	sst lr;
	_ =	strace $0xD0000000  }
0x3: {  	_ = 	snop  }
0x4: {  	_ = 	snop  }
0x5: {  	_ = 	snop  }
0x6: {  	_ = 	snop  }
0x7: {  	_ = 	snop  }
__scs_overlays_trampoline_lowered:
0x8: {  	[smem:$0x3FAE] =	sst s0  }
0x9: {  	[smem:$0x3FAF] =	sst s1  }
0xa: {  	[smem:$0x3FB0] =	sst s2  }
0xb: {  	[smem:$0x3FB1] =	sst s3  }
0xc: {  	[smem:$0x3FB2] =	sst s4  }
0xd: {  	[smem:$0x3FB3] =	sst s5  }
0xe: {  	[smem:$0x3FB4] =	sst s6  }
0xf: {  	[smem:$0x3FB5] =	sst s7  }
0x10: {  	[smem:$0x3FB6] =	sst s8  }
0x11: {  	[smem:$0x3FB7] =	sst s9;
	s0 =	simm.s32 @!p0 $0x0  }
0x12: {  	s1 =	sld [smem:$0x3F9D];
	s0 =	simm.s32 @p0 $0x1  }
0x13: {  	[smem:$0x3FB8] =	sst s0;
	s0 =	simm.s32 @!p1 $0x0  }
0x14: {  	s2 =	sld [smem:$0x3F9C];
	s0 =	simm.s32 @p1 $0x1  }
0x15: {  	[smem:$0x3FB9] =	sst s0;
	s0 =	simm.s32 @!p2 $0x0  }
0x16: {  	s3 =	sld [smem:$0x3FDB];
	s0 =	simm.s32 @p2 $0x1  }
0x17: {  	s4 =	simm.s32 $0x1BF5;
	[smem:$0x3FBB] =	sst s0  }
0x18: {  	s0 =	sld [smem:$0x3F9E];
	_ =	swait.ge [sflag:s4], $0x0  }
0x19: {  	s7 =	sld [smem:$0x3F9F]  }
0x1a: {  	s8 =	sadd.s32 $0xFFFFE003, lr  }
0x1b: {  	s9 =	sadd.s32 $0xFFFFFEF7, lr;
	s5 =	simm.s32 $0xFFFFFFFF;
	p2 =	slt.u32 s8, $0xFFFFF086  }
0x1c: {  	p1 =	slt.u32 s9, $0xF7A;
	s5 =	simm.s32 @!p2 $0x0  }
0x1d: {  	s5 =	simm.s32 @p1 $0x1;
	p0 =	seq.s32 s7, s2  }
0x1e: {  	s7 =	smul.u32 @!p0 $0xF7A, s2;
	p2 =	seq.s32 @!p0 s5, $0x0  }
0x1f: {  	s9 =	smul.u32 $0xF7A, s1;
	s8 =	simm.s32 @!p0 $0x1BF5;
	p2 =	por !p2, p0  }
0x20: {  	[sflag:s8] =	ssyncset.s32 @!p0 $0xFFFFF086;
	s6 =	sadd.s32 @!p0 s3, s7;
	s7 =	simm.s32 @!p0 $0x108  }
0x21: {  	s3 =	sadd.s32 s3, s9;
	s6 =	sadd.s32 @!p0 $0x88, s6;
	s7 =	simm.s32 @p2 $0x1082  }
0x22: {  	[simem:s7], [sflag:s8] =	dma.local @!p0 [hbm:s6], $0xF7A  }
0x23: {  	s9 =	sor.u32 $0xD0000000, s2;
	s6 =	simm.s32 $0x108;
	_ =	swait.ge @!p0 [sflag:s8], $0x0  }
0x24: {  	s3 =	sadd.s32 $0x88, s3;
	s6 =	simm.s32 @!p1 $0x1082;
	[sflag:s4] =	ssyncset.s32 $0xFFFFF086  }
0x25: {  	[simem:s6], [sflag:s4] =	dma.local [hbm:s3], $0xF7A  }
0x26: {  	[smem:$0x3F9F] =	sst s1;
	(tag) =	ssettag s2;
	_ =	strace s9  }
0x27: {  	s1 =	sld [smem:$0x3FAF]  }
0x28: {  	s2 =	sld [smem:$0x3FB0]  }
0x29: {  	s4 =	sld [smem:$0x3FB2]  }
0x2a: {  	p0 =	seq.s32 s5, $0x0;
	s5 =	sld [smem:$0x3FB3]  }
0x2b: {  	s6 =	sld [smem:$0x3FB4]  }
0x2c: {  	s7 =	sld [smem:$0x3FB5]  }
0x2d: {  	s3 =	simm.s32 $0x108;
	s8 =	sld [smem:$0x3FB6]  }
0x2e: {  	s3 =	simm.s32 @!p0 $0x1082;
	s9 =	sld [smem:$0x3FB7]  }
0x2f: {  	lr =	sadd.s32 s0, s3;
	s0 =	sld [smem:$0x3FAE]  }
0x30: {  	s3 =	sld [smem:$0x3FB1]  }
0x31: {  	[smem:$0x3FBA] =	sst s10  }
0x32: {  	s10 =	sld [smem:$0x3FB8];
	_ =	sdelay $0x3  }
0x33: {  	p0 =	seq.s32 s10, $0x1;
	s10 =	sld [smem:$0x3FBA];
	_ =	sdelay $0x3  }
0x34: {  	[smem:$0x3FBA] =	sst s10  }
0x35: {  	s10 =	sld [smem:$0x3FB9];
	_ =	sdelay $0x3  }
0x36: {  	p1 =	seq.s32 s10, $0x1;
	s10 =	sld [smem:$0x3FBA];
	_ =	sdelay $0x3  }
0x37: {  	[smem:$0x3FBA] =	sst s10  }
0x38: {  	s10 =	sld [smem:$0x3FBB]  }
0x39: {  	_ = 	snop;
	(pc) =	sbr.ind lr, $3  }
0x3a: {  	_ = 	snop  }
0x3b: {  	_ = 	snop  }
0x3c: {  	p2 =	seq.s32 s10, $0x1;
	s10 =	sld [smem:$0x3FBA]  }
0x3d: {  	_ =	shalt  }
0x3e: {  	_ =	shalt  }
0x3f: {  	_ =	shalt  }
0x40: {  	_ =	shalt  }
0x41: {  	_ =	shalt  }
0x42: {  	_ =	shalt  }
0x43: {  	_ =	shalt  }
0x44: {  	_ =	shalt  }
0x45: {  	_ =	shalt  }
0x46: {  	_ =	shalt  }
0x47: {  	_ =	shalt  }
0x48: {  	_ =	shalt  }
0x49: {  	_ =	shalt  }
0x4a: {  	_ =	shalt  }
0x4b: {  	_ =	shalt  }
0x4c: {  	_ =	shalt  }
0x4d: {  	_ =	shalt  }
0x4e: {  	_ =	shalt  }
0x4f: {  	_ =	shalt  }
0x50: {  	_ =	shalt  }
0x51: {  	_ =	shalt  }
0x52: {  	_ =	shalt  }
0x53: {  	_ =	shalt  }
0x54: {  	_ =	shalt  }
0x55: {  	_ =	shalt  }
0x56: {  	_ =	shalt  }
0x57: {  	_ =	shalt  }
0x58: {  	_ =	shalt  }
0x59: {  	_ =	shalt  }
0x5a: {  	_ =	shalt  }
0x5b: {  	_ =	shalt  }
0x5c: {  	_ =	shalt  }
0x5d: {  	_ =	shalt  }
0x5e: {  	_ =	shalt  }
0x5f: {  	_ =	shalt  }
0x60: {  	_ =	shalt  }
0x61: {  	_ =	shalt  }
0x62: {  	_ =	shalt  }
0x63: {  	_ =	shalt  }
0x64: {  	_ =	shalt  }
0x65: {  	_ =	shalt  }
0x66: {  	_ =	shalt  }
0x67: {  	_ =	shalt  }
0x68: {  	_ =	shalt  }
0x69: {  	_ =	shalt  }
0x6a: {  	_ =	shalt  }
0x6b: {  	_ =	shalt  }
0x6c: {  	_ =	shalt  }
0x6d: {  	_ =	shalt  }
0x6e: {  	_ =	shalt  }
0x6f: {  	_ =	shalt  }
0x70: {  	_ =	shalt  }
0x71: {  	_ =	shalt  }
0x72: {  	_ =	shalt  }
0x73: {  	_ =	shalt  }
0x74: {  	_ =	shalt  }
0x75: {  	_ =	shalt  }
0x76: {  	_ =	shalt  }
0x77: {  	_ =	shalt  }
0x78: {  	_ =	shalt  }
0x79: {  	_ =	shalt  }
0x7a: {  	_ =	shalt  }
0x7b: {  	_ =	shalt  }
0x7c: {  	_ =	shalt  }
0x7d: {  	_ =	shalt  }
0x7e: {  	_ =	shalt  }
0x7f: {  	_ =	shalt  }
0x80: {  	_ =	shalt  }
0x81: {  	_ =	shalt  }
0x82: {  	_ =	shalt  }
0x83: {  	_ =	shalt  }
0x84: {  	_ =	shalt  }
0x85: {  	_ =	shalt  }
0x86: {  	_ =	shalt  }
0x87: {  	_ =	shalt  }
.Lfunc_end0:
.L_simem_size_0:
called_computation.1_lowered:
.L_overlay_start_0:
0x88: {  	s2 =	sld [smem:$0x3FD9]  }
0x89: {  	s3 =	sld [smem:$0x3FFE];
	_ =	sdelay $0x1  }
0x8a: {  	s1 =	srdreg.scid  }
0x8b: {  	s0 =	sand.u32 $0x1, s1  }
0x8c: {  	s17 =	sshll.u32 s0, $0xA;
	s2 =	sadd.s32 s3, s2  }
0x8d: {  	s2 =	sadd.s32 s2, s17  }
0x8e: {  	[smem:$0x3FC6] =	sst s2  }
0x8f: {  	_ = 	snop  }
0x90: {  	s2 =	sld [smem:$0x3FD0];
	(tm) =	ssettm $0x1  }
0x91: {  	s18 =	sld [smem:$0x3FFB];
	_ =	sdelay $0x3  }
0x92: {  	_ =	strace s18  }
0x93: {  	s3 =	sld [smem:$0x3FFC];
	_ =	sdelay $0x3  }
0x94: {  	_ =	strace s3  }
0x95: {  	s3 =	sld [smem:$0x3FFD];
	_ =	sdelay $0x3  }
0x96: {  	_ =	strace s3  }
0x97: {  	_ =	strace $0x8FFFFFFF  }
0x98: {  	s19 =	sld [smem:$0x3FDB];
	_ =	sdelay $0x1  }
0x99: {  	s4 =	simm.s32 $_scs_section_size  }
0x9a: {  	s5 =	simm.s32 $_size__tile_overlayer_lowered;
	s6 =	simm.s32 $_tile_overlayer_lowered  }
0x9b: {  	s22 =	simm.s32 $0x1BFF;
	s21 =	sshll.u32 s6, $0x1;
	s3 =	sadd.s32 s4, s19  }
0x9c: {  	s7 =	simm.s32 $0x0;
	s20 =	sshll.u32 s5, $0x1;
	s5 =	sadd.s32 s21, s3  }
0x9d: {  	[timem:s7], [sflag:s22] =	dma.local [hbm:s5], s20  }
0x9e: {  	_ =	swait.ge [sflag:s22], s20  }
0x9f: {  	s4 =	ssub.s32 $0x0, s20;
	[sflag:s22] =	ssyncset.done $0x0  }
0xa0: {  	[sflag:s22] =	ssyncadd.s32 s4;
	_ =	sdelay $0x1  }
0xa1: {  	s23 =	simm.s32 $0x1B8B  }
0xa2: {  	_ =	swait.ge [sflag:s23], $0x1  }
0xa3: {  	[sflag:s23] =	ssyncset.done $0x0  }
0xa4: {  	s25 =	simm.s32 $0x1B8E;
	s24 =	sld [smem:$0x3FFE];
	[sflag:s23] =	ssyncadd.s32 $0xFFFFFFFF  }
0xa5: {  	s26 =	simm.s32 $execute0_lowered;
	[smem:$0x3FD2] =	sst s25  }
0xa6: {  	s5 =	sshll.u32 s26, $0x1;
	_ =	strace $0x80000046;
	[dreg:$0x1] =	wrdreg $0xFFFFFFFF  }
0xa7: {  	s28 =	simm.s32 $_size_execute0_lowered;
	s3 =	sadd.s32 s3, s5;
	[dreg:$0x0] =	wrdreg $0x0  }
0xa8: {  	s5 =	sshll.u32 s28, $0x1;
	[dreg:$0x2] =	wrdreg s3  }
0xa9: {  	[dreg:$0x3] =	wrdreg s5  }
0xaa: {  	[dreg:$0x4] =	wrdreg $0xC0  }
0xab: {  	_ =	task [dreg:s7], $0x5FFFF  }
0xac: {  	[dreg:$0x1] =	wrdreg $0xFFFFFFFF  }
0xad: {  	[dreg:$0x0] =	wrdreg $0x60  }
0xae: {  	[dreg:$0x2] =	wrdreg s24  }
0xaf: {  	[dreg:$0x3] =	wrdreg s2  }
0xb0: {  	[dreg:$0x4] =	wrdreg $0x9  }
0xb1: {  	_ =	task.clear_ibuf [dreg:s7], $0x5FFFF;
	_ =	strace $0x90000046  }
0xb2: {  	s29 =	simm.s32 $0x9;
	_ =	strace $0x80000048  }
0xb3: {  	_ =	swait.ge [sflag:s29], $0x1  }
0xb4: {  	[sflag:s29] =	ssyncadd.s32 $0xFFFFFFFF  }
0xb5: {  	_ =	strace $0x90000048  }
0xb6: {  	_ =	sfence  }
0xb7: {  	s30 =	sld [smem:$0x0];
	_ =	sdelay $0x2  }
0xb8: {  	s31 =	sshll.u32 s1, $0xD;
	s1 =	sshrl.u32 s1, $0x2  }
0xb9: {  	s3 =	sand.u32 $0x4000, s31;
	s1 =	sadd.s32 s1, s30  }
0xba: {  	s0 =	sor.u32 s3, s0;
	s1 =	sshll.u32 s1, $0x11  }
0xbb: {  	s0 =	sor.u32 s1, s0  }
0xbc: {  	s0 =	sadd.s32 $0x8F2B, s0  }
0xbd: {  	[sflag:s0] =	ssyncadd.remote.s32 $0x1  }
0xbe: {  	_ =	sfence.sel $0xFFFF  }
0xbf: {  	[dreg:$0x0] =	wrdreg $0xFFFFFFFF;
	(pc) =	sbr.abs _section_cstart, $3  }
0xc0: {  	[dreg:$0x1] =	wrdreg $0xFFFFFFFF  }
0xc1: {  	_ =	task.clear_ibuf [dreg:s7], $0x2FFFF;
	_ =	strace $0x9FFFFFFF  }
0xc2: {  	(tm) =	ssettm $0x7FFFFFFF  }
0xc3: {  	_ =	shalt  }
tec
execute0_lowered:
.L_overlay_start_1:
0x0: {  	(tag) =	ssettag $0x1  }
0x1: {  	s0 =	rddreg [dreg:$0x0]  }
0x2: {  	s1 =	srdreg.scid;
	s7 =	stileid.u32  }
0x3: {  	s5 =	rddreg [dreg:$0x1];
	s2 =	simm.s32 $0x0;
	s11 =	simm.s32 $0x4100  }
0x4: {  	s12 =	simm.s32 $0x5100;
	s14 =	simm.s32 $0x6100;
	s16 =	simm.s32 $0x7100  }
0x5: {  	s18 =	simm.s32 $0x8100;
	s19 =	simm.s32 $0x1;
	s21 =	simm.s32 $0x9100  }
0x6: {  	s28 =	simm.s32 $0xC100;
	s29 =	simm.s32 $0x480;
	s30 =	simm.s32 $0xD100  }
0x7: {  	s1 =	sand.u32 $0x1, s1;
	s3 =	sshll.u32 s7, $0x1;
	s7 =	smul.u32 $0x8200, s7  }
0x8: {  	s4 =	sor.u32 s1, s3;
	s8 =	ssub.s32 $0x2, s1;
	s1 =	smul.u32 $0x4100, s1  }
0x9: {  	s31 =	simm.s32 $0x2;
	[smem:$0x7FF] =	sst s2;
	s6 =	smul.u32 $0x4100, s4  }
0xa: {  	_ =	strace $0x80000047;
	s9 =	sshrl.u32 s8, $0x1;
	s10 =	smul.u32 $0x82000, s4  }
0xb: {  	s3 =	sadd.s32 $0x10E00, s0;
	s23 =	smul.u32 $0x10400, s4;
	s8 =	ssub.s32 s8, s9  }
0xc: {  	s1 =	sadd.s32 s1, s7;
	s9 =	simm.s32 $0x4;
	s6 =	sshrl.u32 s6, $0x3  }
0xd: {  	s24 =	sshrl.u32 s10, $0x3;
	s1 =	sshll.u32 s1, $0x2;
	s7 =	smax.u32 s8, $0x1  }
0xe: {  	s10 =	simm.s32 $0x80;
	s0 =	sadd.s32 s6, s0;
	s25 =	sadd.s32 s5, s24  }
0xf: {  	s1 =	sadd.s32 s5, s1;
	s5 =	sadd.s32 s5, s23;
	s23 =	simm.s32 $0xA100  }
0x10: {  	s4 =	sadd.s32 $0xA00, s0;
	s6 =	sadd.s32 $0xA00, s25;
	s26 =	sadd.s32 $0x1400, s1  }
0x11: {  	s8 =	sadd.s32 $0x1E00, s1;
	s25 =	simm.s32 $0xB100;
	s1 =	simm.s32 $0x3  }
0x12: {  	s0 =	simm.s32 $0x0;
	[dreg:$0x3] =	wrdreg s26;
	s26 =	simm.s32 $0x400  }
.LBB2_1:
0x13: {  	[tilespmem:s2], [sflag:$0x4] =	stream.linear.gather [hbm4b:s4+s2], $0x4100, $0x38;
	[tilespmem:$0xE100] =	vst v63  }
0x14: {  	_ =	swait.ge [sflag:s9], $0x4100  }
0x15: {  	[sflag:s9] =	ssyncset.done $0x0  }
0x16: {  	[sflag:s9] =	ssyncadd.s32 $0xFFFFBF00  }
0x17: {  	[tilespmem:s11], [sflag:$0x1] =	stream.indirect.gather [hbm4b:s3+s10], $0x20, s2, s10, $0xb8;
	[tilespmem:$0xE100] =	vst v63  }
0x18: {  	_ = 	snop  }
0x19: {  	[tilespmem:s12], [sflag:$0x1] =	stream.indirect.gather [hbm4b:s3+s10], $0x20, s10, s10, $0xb8;
	[tilespmem:$0xE100] =	vst v63  }
0x1a: {  	s13 =	simm.s32 $0x100  }
0x1b: {  	[tilespmem:s14], [sflag:$0x1] =	stream.indirect.gather [hbm4b:s3+s10], $0x20, s13, s10, $0xb8;
	[tilespmem:$0xE100] =	vst v63  }
0x1c: {  	s17 =	simm.s32 $0x180  }
0x1d: {  	[tilespmem:s16], [sflag:$0x1] =	stream.indirect.gather [hbm4b:s3+s10], $0x20, s17, s10, $0xb8;
	[tilespmem:$0xE100] =	vst v63  }
0x1e: {  	s20 =	simm.s32 $0x200  }
0x1f: {  	[tilespmem:s18], [sflag:$0x1] =	stream.indirect.gather [hbm4b:s3+s10], $0x20, s20, s10, $0xb8;
	[tilespmem:$0xE100] =	vst v63  }
0x20: {  	_ =	swait.ge [sflag:s19], $0x1000  }
0x21: {  	[sflag:s19] =	ssyncset.done $0x0  }
0x22: {  	[sflag:s19] =	ssyncadd.s32 $0xFFFFF000  }
0x23: {  	_ =	swait.ge [sflag:s19], $0x1000  }
0x24: {  	[sflag:s19] =	ssyncset.done $0x0  }
0x25: {  	[sflag:s19] =	ssyncadd.s32 $0xFFFFF000  }
0x26: {  	_ =	swait.ge [sflag:s19], $0x1000  }
0x27: {  	[sflag:s19] =	ssyncset.done $0x0  }
0x28: {  	[sflag:s19] =	ssyncadd.s32 $0xFFFFF000  }
0x29: {  	_ =	swait.ge [sflag:s19], $0x1000  }
0x2a: {  	[sflag:s19] =	ssyncset.done $0x0  }
0x2b: {  	[sflag:s19] =	ssyncadd.s32 $0xFFFFF000  }
0x2c: {  	_ =	swait.ge [sflag:s19], $0x1000  }
0x2d: {  	[sflag:s19] =	ssyncset.done $0x0  }
0x2e: {  	[sflag:s19] =	ssyncadd.s32 $0xFFFFF000  }
0x2f: {  	[hbm4b:s5+s2] =	stream.linear.scatter [tilespmem:s11], [sflag:$0x2], $0x5000, $0x38;
	[tilespmem:$0xE100] =	vst v63  }
0x30: {  	s22 =	simm.s32 $0x280  }
0x31: {  	[tilespmem:s21], [sflag:$0x1] =	stream.indirect.gather [hbm4b:s3+s10], $0x20, s22, s10, $0xb8;
	[tilespmem:$0xE100] =	vst v63  }
0x32: {  	s24 =	simm.s32 $0x300  }
0x33: {  	[tilespmem:s23], [sflag:$0x1] =	stream.indirect.gather [hbm4b:s3+s10], $0x20, s24, s10, $0xb8;
	[tilespmem:$0xE100] =	vst v63  }
0x34: {  	s15 =	simm.s32 $0x380  }
0x35: {  	[tilespmem:s25], [sflag:$0x1] =	stream.indirect.gather [hbm4b:s3+s10], $0x20, s15, s10, $0xb8;
	[tilespmem:$0xE100] =	vst v63  }
0x36: {  	_ = 	snop  }
0x37: {  	[tilespmem:s28], [sflag:$0x1] =	stream.indirect.gather [hbm4b:s3+s10], $0x20, s26, s10, $0xb8;
	[tilespmem:$0xE100] =	vst v63  }
0x38: {  	_ = 	snop  }
0x39: {  	[tilespmem:s30], [sflag:$0x1] =	stream.indirect.gather [hbm4b:s3+s10], $0x20, s29, s10, $0xb8;
	[tilespmem:$0xE100] =	vst v63  }
0x3a: {  	_ =	swait.ge [sflag:s19], $0x1000  }
0x3b: {  	[sflag:s19] =	ssyncset.done $0x0  }
0x3c: {  	[sflag:s19] =	ssyncadd.s32 $0xFFFFF000  }
0x3d: {  	_ =	swait.ge [sflag:s19], $0x1000  }
0x3e: {  	[sflag:s19] =	ssyncset.done $0x0  }
0x3f: {  	[sflag:s19] =	ssyncadd.s32 $0xFFFFF000  }
0x40: {  	_ =	swait.ge [sflag:s19], $0x1000  }
0x41: {  	[sflag:s19] =	ssyncset.done $0x0  }
0x42: {  	[sflag:s19] =	ssyncadd.s32 $0xFFFFF000  }
0x43: {  	_ =	swait.ge [sflag:s19], $0x1000  }
0x44: {  	[sflag:s19] =	ssyncset.done $0x0  }
0x45: {  	[sflag:s19] =	ssyncadd.s32 $0xFFFFF000  }
0x46: {  	_ =	swait.ge [sflag:s19], $0x1000  }
0x47: {  	[sflag:s19] =	ssyncset.done $0x0  }
0x48: {  	[sflag:s19] =	ssyncadd.s32 $0xFFFFF000  }
0x49: {  	[hbm4b:s6+s2] =	stream.linear.scatter [tilespmem:s21], [sflag:$0x3], $0x5000, $0x38;
	[tilespmem:$0xE100] =	vst v63  }
0x4a: {  	s13 =	rddreg [dreg:$0x3];
	_ =	swait.ge [sflag:s31], $0x5000  }
0x4b: {  	[sflag:s31] =	ssyncset.done $0x0  }
0x4c: {  	s15 =	simm.s32 $0x500;
	[sflag:s31] =	ssyncadd.s32 $0xFFFFB000  }
0x4d: {  	[tilespmem:s11], [sflag:$0x1] =	stream.indirect.gather [hbm4b:s3+s10], $0x20, s15, s10, $0xb8;
	[tilespmem:$0xE100] =	vst v63  }
0x4e: {  	s17 =	simm.s32 $0x580  }
0x4f: {  	[tilespmem:s12], [sflag:$0x1] =	stream.indirect.gather [hbm4b:s3+s10], $0x20, s17, s10, $0xb8;
	[tilespmem:$0xE100] =	vst v63  }
0x50: {  	s20 =	simm.s32 $0x600  }
0x51: {  	[tilespmem:s14], [sflag:$0x1] =	stream.indirect.gather [hbm4b:s3+s10], $0x20, s20, s10, $0xb8;
	[tilespmem:$0xE100] =	vst v63  }
0x52: {  	s22 =	simm.s32 $0x680  }
0x53: {  	[tilespmem:s16], [sflag:$0x1] =	stream.indirect.gather [hbm4b:s3+s10], $0x20, s22, s10, $0xb8;
	[tilespmem:$0xE100] =	vst v63  }
0x54: {  	s24 =	simm.s32 $0x700  }
0x55: {  	[tilespmem:s18], [sflag:$0x1] =	stream.indirect.gather [hbm4b:s3+s10], $0x20, s24, s10, $0xb8;
	[tilespmem:$0xE100] =	vst v63  }
0x56: {  	_ =	swait.ge [sflag:s19], $0x1000  }
0x57: {  	[sflag:s19] =	ssyncset.done $0x0  }
0x58: {  	[sflag:s19] =	ssyncadd.s32 $0xFFFFF000  }
0x59: {  	_ =	swait.ge [sflag:s19], $0x1000  }
0x5a: {  	[sflag:s19] =	ssyncset.done $0x0  }
0x5b: {  	[sflag:s19] =	ssyncadd.s32 $0xFFFFF000  }
0x5c: {  	_ =	swait.ge [sflag:s19], $0x1000  }
0x5d: {  	[sflag:s19] =	ssyncset.done $0x0  }
0x5e: {  	[sflag:s19] =	ssyncadd.s32 $0xFFFFF000  }
0x5f: {  	_ =	swait.ge [sflag:s19], $0x1000  }
0x60: {  	[sflag:s19] =	ssyncset.done $0x0  }
0x61: {  	[sflag:s19] =	ssyncadd.s32 $0xFFFFF000  }
0x62: {  	_ =	swait.ge [sflag:s19], $0x1000  }
0x63: {  	[sflag:s19] =	ssyncset.done $0x0  }
0x64: {  	s13 =	sadd.s32 $0x0, s13;
	[sflag:s19] =	ssyncadd.s32 $0xFFFFF000  }
0x65: {  	[hbm4b:s13+s2] =	stream.linear.scatter [tilespmem:s11], [sflag:$0x2], $0x5000, $0x38;
	[tilespmem:$0xE100] =	vst v63  }
0x66: {  	_ =	swait.ge [sflag:s1], $0x5000  }
0x67: {  	[sflag:s1] =	ssyncset.done $0x0  }
0x68: {  	s15 =	simm.s32 $0x780;
	[sflag:s1] =	ssyncadd.s32 $0xFFFFB000  }
0x69: {  	[tilespmem:s21], [sflag:$0x1] =	stream.indirect.gather [hbm4b:s3+s10], $0x20, s15, s10, $0xb8;
	[tilespmem:$0xE100] =	vst v63  }
0x6a: {  	s17 =	simm.s32 $0x800  }
0x6b: {  	[tilespmem:s23], [sflag:$0x1] =	stream.indirect.gather [hbm4b:s3+s10], $0x20, s17, s10, $0xb8;
	[tilespmem:$0xE100] =	vst v63  }
0x6c: {  	s20 =	simm.s32 $0x880  }
0x6d: {  	[tilespmem:s25], [sflag:$0x1] =	stream.indirect.gather [hbm4b:s3+s10], $0x20, s20, s10, $0xb8;
	[tilespmem:$0xE100] =	vst v63  }
0x6e: {  	s22 =	simm.s32 $0x900  }
0x6f: {  	[tilespmem:s28], [sflag:$0x1] =	stream.indirect.gather [hbm4b:s3+s10], $0x20, s22, s10, $0xb8;
	[tilespmem:$0xE100] =	vst v63  }
0x70: {  	s24 =	simm.s32 $0x980  }
0x71: {  	[tilespmem:s30], [sflag:$0x1] =	stream.indirect.gather [hbm4b:s3+s10], $0x20, s24, s10, $0xb8;
	[tilespmem:$0xE100] =	vst v63  }
0x72: {  	_ =	swait.ge [sflag:s19], $0x1000  }
0x73: {  	[sflag:s19] =	ssyncset.done $0x0  }
0x74: {  	[sflag:s19] =	ssyncadd.s32 $0xFFFFF000  }
0x75: {  	_ =	swait.ge [sflag:s19], $0x1000  }
0x76: {  	[sflag:s19] =	ssyncset.done $0x0  }
0x77: {  	[sflag:s19] =	ssyncadd.s32 $0xFFFFF000  }
0x78: {  	_ =	swait.ge [sflag:s19], $0x1000  }
0x79: {  	[sflag:s19] =	ssyncset.done $0x0  }
0x7a: {  	[sflag:s19] =	ssyncadd.s32 $0xFFFFF000  }
0x7b: {  	_ =	swait.ge [sflag:s19], $0x1000  }
0x7c: {  	[sflag:s19] =	ssyncset.done $0x0  }
0x7d: {  	[sflag:s19] =	ssyncadd.s32 $0xFFFFF000  }
0x7e: {  	_ =	swait.ge [sflag:s19], $0x1000  }
0x7f: {  	s13 =	simm.s32 $0x1400;
	s15 =	simm.s32 $0x2800;
	[sflag:s19] =	ssyncset.done $0x0  }
0x80: {  	s22 =	sadd.s32 $0x0, s8;
	s20 =	rddreg [dreg:$0x3];
	[sflag:s19] =	ssyncadd.s32 $0xFFFFF000  }
.LBB2_2:
0x81: {  	[hbm4b:s22+s2] =	stream.linear.scatter [tilespmem:s21], [sflag:$0x3], $0x5000, $0x38;
	[tilespmem:$0xE100] =	vst v63  }
0x82: {  	_ =	swait.ge [sflag:s31], $0x5000  }
0x83: {  	s22 =	sshra.s32 s13, $0x2;
	[sflag:s31] =	ssyncset.done $0x0  }
0x84: {  	s24 =	sadd.s32 $0x500, s22;
	[sflag:s31] =	ssyncadd.s32 $0xFFFFB000  }
0x85: {  	[tilespmem:s11], [sflag:$0x1] =	stream.indirect.gather [hbm4b:s3+s10], $0x20, s24, s10, $0xb8;
	[tilespmem:$0xE100] =	vst v63  }
0x86: {  	s24 =	sadd.s32 $0x580, s22  }
0x87: {  	[tilespmem:s12], [sflag:$0x1] =	stream.indirect.gather [hbm4b:s3+s10], $0x20, s24, s10, $0xb8;
	[tilespmem:$0xE100] =	vst v63  }
0x88: {  	s24 =	sadd.s32 $0x600, s22  }
0x89: {  	[tilespmem:s14], [sflag:$0x1] =	stream.indirect.gather [hbm4b:s3+s10], $0x20, s24, s10, $0xb8;
	[tilespmem:$0xE100] =	vst v63  }
0x8a: {  	s24 =	sadd.s32 $0x680, s22  }
0x8b: {  	[tilespmem:s16], [sflag:$0x1] =	stream.indirect.gather [hbm4b:s3+s10], $0x20, s24, s10, $0xb8;
	[tilespmem:$0xE100] =	vst v63  }
0x8c: {  	s24 =	sadd.s32 $0x700, s22  }
0x8d: {  	[tilespmem:s18], [sflag:$0x1] =	stream.indirect.gather [hbm4b:s3+s10], $0x20, s24, s10, $0xb8;
	[tilespmem:$0xE100] =	vst v63  }
0x8e: {  	_ =	swait.ge [sflag:s19], $0x1000  }
0x8f: {  	[sflag:s19] =	ssyncset.done $0x0  }
0x90: {  	[sflag:s19] =	ssyncadd.s32 $0xFFFFF000  }
0x91: {  	_ =	swait.ge [sflag:s19], $0x1000  }
0x92: {  	[sflag:s19] =	ssyncset.done $0x0  }
0x93: {  	[sflag:s19] =	ssyncadd.s32 $0xFFFFF000  }
0x94: {  	_ =	swait.ge [sflag:s19], $0x1000  }
0x95: {  	[sflag:s19] =	ssyncset.done $0x0  }
0x96: {  	[sflag:s19] =	ssyncadd.s32 $0xFFFFF000  }
0x97: {  	_ =	swait.ge [sflag:s19], $0x1000  }
0x98: {  	[sflag:s19] =	ssyncset.done $0x0  }
0x99: {  	[sflag:s19] =	ssyncadd.s32 $0xFFFFF000  }
0x9a: {  	_ =	swait.ge [sflag:s19], $0x1000  }
0x9b: {  	[sflag:s19] =	ssyncset.done $0x0  }
0x9c: {  	s20 =	sadd.s32 s13, s20;
	[sflag:s19] =	ssyncadd.s32 $0xFFFFF000  }
0x9d: {  	[hbm4b:s20+s2] =	stream.linear.scatter [tilespmem:s11], [sflag:$0x2], $0x5000, $0x38;
	[tilespmem:$0xE100] =	vst v63  }
0x9e: {  	_ =	swait.ge [sflag:s1], $0x5000  }
0x9f: {  	[sflag:s1] =	ssyncset.done $0x0  }
0xa0: {  	s24 =	sadd.s32 $0x780, s22;
	[sflag:s1] =	ssyncadd.s32 $0xFFFFB000  }
0xa1: {  	[tilespmem:s21], [sflag:$0x1] =	stream.indirect.gather [hbm4b:s3+s10], $0x20, s24, s10, $0xb8;
	[tilespmem:$0xE100] =	vst v63  }
0xa2: {  	s24 =	sadd.s32 $0x800, s22  }
0xa3: {  	[tilespmem:s23], [sflag:$0x1] =	stream.indirect.gather [hbm4b:s3+s10], $0x20, s24, s10, $0xb8;
	[tilespmem:$0xE100] =	vst v63  }
0xa4: {  	s24 =	sadd.s32 $0x880, s22  }
0xa5: {  	[tilespmem:s25], [sflag:$0x1] =	stream.indirect.gather [hbm4b:s3+s10], $0x20, s24, s10, $0xb8;
	[tilespmem:$0xE100] =	vst v63  }
0xa6: {  	s24 =	sadd.s32 $0x900, s22  }
0xa7: {  	[tilespmem:s28], [sflag:$0x1] =	stream.indirect.gather [hbm4b:s3+s10], $0x20, s24, s10, $0xb8;
	[tilespmem:$0xE100] =	vst v63  }
0xa8: {  	s24 =	sadd.s32 $0x980, s22  }
0xa9: {  	[tilespmem:s30], [sflag:$0x1] =	stream.indirect.gather [hbm4b:s3+s10], $0x20, s24, s10, $0xb8;
	[tilespmem:$0xE100] =	vst v63  }
0xaa: {  	_ =	swait.ge [sflag:s19], $0x1000  }
0xab: {  	[sflag:s19] =	ssyncset.done $0x0  }
0xac: {  	[sflag:s19] =	ssyncadd.s32 $0xFFFFF000  }
0xad: {  	_ =	swait.ge [sflag:s19], $0x1000  }
0xae: {  	[sflag:s19] =	ssyncset.done $0x0  }
0xaf: {  	[sflag:s19] =	ssyncadd.s32 $0xFFFFF000  }
0xb0: {  	_ =	swait.ge [sflag:s19], $0x1000  }
0xb1: {  	[sflag:s19] =	ssyncset.done $0x0  }
0xb2: {  	[sflag:s19] =	ssyncadd.s32 $0xFFFFF000  }
0xb3: {  	p0 =	sne.s32 s15, $0xDC00;
	_ =	swait.ge [sflag:s19], $0x1000  }
.Ltmp0:
0xb4: {  	[sflag:s19] =	ssyncset.done $0x0;
	(pc) =	sbr.rel @p0 .LBB2_2-.Ltmp0, $4  }
0xb5: {  	[sflag:s19] =	ssyncadd.s32 $0xFFFFF000  }
0xb6: {  	s17 =	smov.u32 s15;
	_ =	swait.ge [sflag:s19], $0x1000  }
0xb7: {  	s15 =	sadd.s32 $0x1400, s15;
	s22 =	sadd.s32 s13, s8;
	[sflag:s19] =	ssyncset.done $0x0  }
0xb8: {  	s13 =	smov.u32 s17;
	s20 =	rddreg [dreg:$0x3];
	[sflag:s19] =	ssyncadd.s32 $0xFFFFF000  }
0xb9: {  	[hbm4b:s22+s2] =	stream.linear.scatter [tilespmem:s21], [sflag:$0x3], $0x5000, $0x38;
	[tilespmem:$0xE100] =	vst v63  }
0xba: {  	_ =	swait.ge [sflag:s31], $0x5000  }
0xbb: {  	s15 =	sshra.s32 s13, $0x2;
	[sflag:s31] =	ssyncset.done $0x0  }
0xbc: {  	s17 =	sadd.s32 $0x500, s15;
	[sflag:s31] =	ssyncadd.s32 $0xFFFFB000  }
0xbd: {  	[tilespmem:s11], [sflag:$0x1] =	stream.indirect.gather [hbm4b:s3+s10], $0x20, s17, s10, $0xb8;
	[tilespmem:$0xE100] =	vst v63  }
0xbe: {  	s22 =	sadd.s32 $0x580, s15  }
0xbf: {  	[tilespmem:s12], [sflag:$0x1] =	stream.indirect.gather [hbm4b:s3+s10], $0x20, s22, s10, $0xb8;
	[tilespmem:$0xE100] =	vst v63  }
0xc0: {  	s24 =	sadd.s32 $0x600, s15  }
0xc1: {  	[tilespmem:s14], [sflag:$0x1] =	stream.indirect.gather [hbm4b:s3+s10], $0x20, s24, s10, $0xb8;
	[tilespmem:$0xE100] =	vst v63  }
0xc2: {  	s22 =	sadd.s32 $0x680, s15  }
0xc3: {  	[tilespmem:s16], [sflag:$0x1] =	stream.indirect.gather [hbm4b:s3+s10], $0x20, s22, s10, $0xb8;
	[tilespmem:$0xE100] =	vst v63  }
0xc4: {  	s24 =	sadd.s32 $0x700, s15  }
0xc5: {  	[tilespmem:s18], [sflag:$0x1] =	stream.indirect.gather [hbm4b:s3+s10], $0x20, s24, s10, $0xb8;
	[tilespmem:$0xE100] =	vst v63  }
0xc6: {  	_ =	swait.ge [sflag:s19], $0x1000  }
0xc7: {  	[sflag:s19] =	ssyncset.done $0x0  }
0xc8: {  	[sflag:s19] =	ssyncadd.s32 $0xFFFFF000  }
0xc9: {  	_ =	swait.ge [sflag:s19], $0x1000  }
0xca: {  	[sflag:s19] =	ssyncset.done $0x0  }
0xcb: {  	[sflag:s19] =	ssyncadd.s32 $0xFFFFF000  }
0xcc: {  	_ =	swait.ge [sflag:s19], $0x1000  }
0xcd: {  	[sflag:s19] =	ssyncset.done $0x0  }
0xce: {  	[sflag:s19] =	ssyncadd.s32 $0xFFFFF000  }
0xcf: {  	_ =	swait.ge [sflag:s19], $0x1000  }
0xd0: {  	[sflag:s19] =	ssyncset.done $0x0  }
0xd1: {  	[sflag:s19] =	ssyncadd.s32 $0xFFFFF000  }
0xd2: {  	_ =	swait.ge [sflag:s19], $0x1000  }
0xd3: {  	[sflag:s19] =	ssyncset.done $0x0  }
0xd4: {  	s20 =	sadd.s32 s13, s20;
	[sflag:s19] =	ssyncadd.s32 $0xFFFFF000  }
0xd5: {  	[hbm4b:s20+s2] =	stream.linear.scatter [tilespmem:s11], [sflag:$0x2], $0x5000, $0x38;
	[tilespmem:$0xE100] =	vst v63  }
0xd6: {  	_ =	swait.ge [sflag:s1], $0x5000  }
0xd7: {  	[sflag:s1] =	ssyncset.done $0x0  }
0xd8: {  	s22 =	sadd.s32 $0x780, s15;
	[sflag:s1] =	ssyncadd.s32 $0xFFFFB000  }
0xd9: {  	[tilespmem:s21], [sflag:$0x1] =	stream.indirect.gather [hbm4b:s3+s10], $0x20, s22, s10, $0xb8;
	[tilespmem:$0xE100] =	vst v63  }
0xda: {  	s24 =	sadd.s32 $0x800, s15  }
0xdb: {  	[tilespmem:s23], [sflag:$0x1] =	stream.indirect.gather [hbm4b:s3+s10], $0x20, s24, s10, $0xb8;
	[tilespmem:$0xE100] =	vst v63  }
0xdc: {  	s20 =	sadd.s32 $0x880, s15  }
0xdd: {  	[tilespmem:s25], [sflag:$0x1] =	stream.indirect.gather [hbm4b:s3+s10], $0x20, s20, s10, $0xb8;
	[tilespmem:$0xE100] =	vst v63  }
0xde: {  	s22 =	sadd.s32 $0x900, s15  }
0xdf: {  	[tilespmem:s28], [sflag:$0x1] =	stream.indirect.gather [hbm4b:s3+s10], $0x20, s22, s10, $0xb8;
	[tilespmem:$0xE100] =	vst v63  }
0xe0: {  	s15 =	sadd.s32 $0x980, s15  }
0xe1: {  	[tilespmem:s30], [sflag:$0x1] =	stream.indirect.gather [hbm4b:s3+s10], $0x20, s15, s10, $0xb8;
	[tilespmem:$0xE100] =	vst v63  }
0xe2: {  	_ =	swait.ge [sflag:s19], $0x1000  }
0xe3: {  	[sflag:s19] =	ssyncset.done $0x0  }
0xe4: {  	[sflag:s19] =	ssyncadd.s32 $0xFFFFF000  }
0xe5: {  	_ =	swait.ge [sflag:s19], $0x1000  }
0xe6: {  	[sflag:s19] =	ssyncset.done $0x0  }
0xe7: {  	[sflag:s19] =	ssyncadd.s32 $0xFFFFF000  }
0xe8: {  	_ =	swait.ge [sflag:s19], $0x1000  }
0xe9: {  	[sflag:s19] =	ssyncset.done $0x0  }
0xea: {  	[sflag:s19] =	ssyncadd.s32 $0xFFFFF000  }
0xeb: {  	_ =	swait.ge [sflag:s19], $0x1000  }
0xec: {  	[sflag:s19] =	ssyncset.done $0x0  }
0xed: {  	[sflag:s19] =	ssyncadd.s32 $0xFFFFF000  }
0xee: {  	_ =	swait.ge [sflag:s19], $0x1000  }
0xef: {  	[sflag:s19] =	ssyncset.done $0x0  }
0xf0: {  	s0 =	sadd.s32 $0x1, s0;
	s24 =	sadd.s32 s13, s8;
	[sflag:s19] =	ssyncadd.s32 $0xFFFFF000  }
0xf1: {  	[hbm4b:s24+s2] =	stream.linear.scatter [tilespmem:s21], [sflag:$0x3], $0x5000, $0x38;
	[tilespmem:$0xE100] =	vst v63  }
0xf2: {  	p0 =	sne.s32 s0, s7;
	_ =	swait.ge [sflag:s31], $0x5000  }
.Ltmp1:
0xf3: {  	[sflag:s31] =	ssyncset.done $0x0;
	(pc) =	sbr.rel @p0 .LBB2_1-.Ltmp1, $4  }
0xf4: {  	[sflag:s31] =	ssyncadd.s32 $0xFFFFB000  }
0xf5: {  	_ =	swait.ge [sflag:s1], $0x5000  }
0xf6: {  	[sflag:s1] =	ssyncset.done $0x0  }
0xf7: {  	[sflag:s1] =	ssyncadd.s32 $0xFFFFB000  }
0xf8: {  	_ =	sfence.sel $0x180000  }
0xf9: {  	[bflag:$0x0] =	sbarrier.arrive $0xFFFF  }
0xfa: {  	_ =	strace $0x90000047  }
0xfb: {  	s0 =	stileid.u32;
	[bflag:$0x2] =	sbarrier.arrive $0xFFFF  }
0xfc: {  	p0 =	sne.s32 s0, $0x0;
	s0 =	rddreg [dreg:$0x2]  }
0xfd: {  	s0 =	sadd.s32 @!p0 $0x100000, s0  }
0xfe: {  	[sflag:s0] =	ssyncadd.tile.s32 @!p0 $0x1;
	_ =	shalt  }
.Lfunc_end2:
_tile_overlayer_lowered:
.L_overlay_start_2:
0xff: {  	(tag) =	ssettag $0x2  }
0x100: {  	s0 =	rddreg [dreg:$0x0];
	s2 =	stileid.u32  }
0x101: {  	s1 =	rddreg [dreg:$0x1];
	p0 =	sne.s32 s2, $0x0  }
0x102: {  	s3 =	rddreg [dreg:$0x2];
	[bflag:$0x3] =	sbarrier.arrive $0xFFFF;
	s2 =	simm.s32 @!p0 $0x1C04  }
0x103: {  	[timem:s3], [sflag:s2] =	dma.local @!p0 [hbm:s0], s1  }
0x104: {  	s0 =	simm.s32 @!p0 $0x4  }
0x105: {  	_ =	swait.ge @!p0 [sflag:s0], s1  }
0x106: {  	s1 =	ssub.s32 @!p0 $0x0, s1;
	[sflag:s0] =	ssyncset.done @!p0 $0x0  }
0x107: {  	[sflag:s0] =	ssyncadd.s32 @!p0 s1  }
0x108: {  	[bflag:$0x3] =	sbarrier.arrive $0xFFFF  }
0x109: {  	_ =	shalt  }

// kernel: sparse-core-data-format-call.cloned.1.call-start
scs
called_computation_lowered:
.L_overlay_start_0:
0x0: {  	s2 =	sld [smem:$0x3FD9]  }
0x1: {  	s3 =	sld [smem:$0x3FFE];
	_ =	sdelay $0x1  }
0x2: {  	s1 =	srdreg.scid  }
0x3: {  	s0 =	sand.u32 $0x1, s1  }
0x4: {  	s18 =	sshll.u32 s0, $0xA;
	s2 =	sadd.s32 s3, s2  }
0x5: {  	s2 =	sadd.s32 s2, s18  }
0x6: {  	[smem:$0x3FC6] =	sst s2  }
0x7: {  	_ = 	snop  }
0x8: {  	s2 =	sld [smem:$0x3FD0];
	(tm) =	ssettm $0x1  }
0x9: {  	s19 =	sld [smem:$0x3FFB];
	_ =	sdelay $0x3  }
0xa: {  	_ =	strace s19  }
0xb: {  	s3 =	sld [smem:$0x3FFC];
	_ =	sdelay $0x3  }
0xc: {  	_ =	strace s3  }
0xd: {  	s3 =	sld [smem:$0x3FFD];
	_ =	sdelay $0x3  }
0xe: {  	_ =	strace s3  }
0xf: {  	_ =	strace $0x8FFFFFFF  }
0x10: {  	s20 =	sld [smem:$0x3FDB];
	_ =	sdelay $0x1  }
0x11: {  	s4 =	simm.s32 $_scs_section_size  }
0x12: {  	s5 =	simm.s32 $_size__tile_overlayer_lowered;
	s6 =	simm.s32 $_tile_overlayer_lowered  }
0x13: {  	s23 =	simm.s32 $0x1BFF;
	s22 =	sshll.u32 s6, $0x1;
	s3 =	sadd.s32 s4, s20  }
0x14: {  	s7 =	simm.s32 $0x0;
	s21 =	sshll.u32 s5, $0x1;
	s5 =	sadd.s32 s22, s3  }
0x15: {  	[timem:s7], [sflag:s23] =	dma.local [hbm:s5], s21  }
0x16: {  	_ =	swait.ge [sflag:s23], s21  }
0x17: {  	s4 =	ssub.s32 $0x0, s21;
	[sflag:s23] =	ssyncset.done $0x0  }
0x18: {  	[sflag:s23] =	ssyncadd.s32 s4;
	_ =	sdelay $0x1  }
0x19: {  	s24 =	simm.s32 $0x1B8B  }
0x1a: {  	_ =	swait.ge [sflag:s24], $0x1  }
0x1b: {  	[sflag:s24] =	ssyncset.done $0x0  }
0x1c: {  	s26 =	simm.s32 $0x1B8E;
	s25 =	sld [smem:$0x3FFE];
	[sflag:s24] =	ssyncadd.s32 $0xFFFFFFFF  }
0x1d: {  	s27 =	simm.s32 $execute0_lowered;
	[smem:$0x3FD2] =	sst s26  }
0x1e: {  	s5 =	sshll.u32 s27, $0x1;
	_ =	strace $0x80000049;
	[dreg:$0x1] =	wrdreg $0xFFFFFFFF  }
0x1f: {  	s28 =	simm.s32 $_size_execute0_lowered;
	s3 =	sadd.s32 s3, s5;
	[dreg:$0x0] =	wrdreg $0x0  }
0x20: {  	s5 =	sshll.u32 s28, $0x1;
	[dreg:$0x2] =	wrdreg s3  }
0x21: {  	[dreg:$0x3] =	wrdreg s5  }
0x22: {  	[dreg:$0x4] =	wrdreg $0xC0  }
0x23: {  	_ =	task [dreg:s7], $0x5FFFF  }
0x24: {  	[dreg:$0x1] =	wrdreg $0xFFFFFFFF  }
0x25: {  	[dreg:$0x0] =	wrdreg $0x60  }
0x26: {  	[dreg:$0x2] =	wrdreg s25  }
0x27: {  	[dreg:$0x3] =	wrdreg s2  }
0x28: {  	[dreg:$0x4] =	wrdreg $0x9  }
0x29: {  	_ =	task.clear_ibuf [dreg:s7], $0x5FFFF;
	_ =	strace $0x90000049  }
0x2a: {  	s29 =	simm.s32 $0x9;
	_ =	strace $0x8000004B  }
0x2b: {  	_ =	swait.ge [sflag:s29], $0x1  }
0x2c: {  	[sflag:s29] =	ssyncadd.s32 $0xFFFFFFFF  }
0x2d: {  	_ =	strace $0x9000004B  }
0x2e: {  	_ =	sfence  }
0x2f: {  	s30 =	sld [smem:$0x0];
	_ =	sdelay $0x2  }
0x30: {  	s31 =	sshll.u32 s1, $0xD;
	s1 =	sshrl.u32 s1, $0x2  }
0x31: {  	s3 =	sand.u32 $0x4000, s31;
	s1 =	sadd.s32 s1, s30  }
0x32: {  	s0 =	sor.u32 s3, s0;
	s1 =	sshll.u32 s1, $0x11  }
0x33: {  	s0 =	sor.u32 s1, s0  }
0x34: {  	s0 =	sadd.s32 $0x8F2B, s0  }
0x35: {  	[sflag:s0] =	ssyncadd.remote.s32 $0x1  }
0x36: {  	_ =	sfence.sel $0xFFFF  }
0x37: {  	[dreg:$0x0] =	wrdreg $0xFFFFFFFF;
	(pc) =	sbr.abs _section_cstart, $3  }
0x38: {  	[dreg:$0x1] =	wrdreg $0xFFFFFFFF  }
0x39: {  	_ =	task.clear_ibuf [dreg:s7], $0x2FFFF;
	_ =	strace $0x9FFFFFFF  }
0x3a: {  	(tm) =	ssettm $0x7FFFFFFF  }
0x3b: {  	_ =	shalt  }
tec
execute0_lowered:
.L_overlay_start_1:
0x0: {  	(tag) =	ssettag $0x1  }
0x1: {  	s0 =	srdreg.scid  }
0x2: {  	s1 =	sshll.u32 s0, $0x4  }
0x3: {  	s4 =	rddreg [dreg:$0x0];
	s0 =	stileid.u32;
	s1 =	sand.u32 $0x10, s1  }
0x4: {  	s2 =	rddreg [dreg:$0x1];
	s7 =	simm.s32 $0x1;
	s1 =	sor.u32 s0, s1  }
0x5: {  	s8 =	simm.s32 $0x2;
	s11 =	simm.s32 $0x0;
	s3 =	sshll.u32 s1, $0x7  }
0x6: {  	s10 =	simm.s32 $0x0;
	s4 =	sadd.s32 $0xA00, s4;
	s6 =	ssub.s32 $0x82000, s3  }
.Ltmp0:
0x7: {  	s1 =	rddreg [dreg:$0x2];
	s5 =	sand.u32 $0xF80, s6;
	(pc) =	sbr.rel .LBB1_1-.Ltmp0, $4  }
0x8: {  	_ =	strace $0x8000004A;
	s9 =	smov.u32 s3;
	p0 =	sne.s32 s5, $0x0  }
0x9: {  	s6 =	sshrl.u32 s6, $0xC;
	s5 =	simm.s32 $0x1;
	s7 =	simm.s32 @!p0 $0x0  }
0xa: {  	[sflag:s5] =	ssyncpa.u1 $0x0;
	p0 =	por $0x0, $0x0;
	s6 =	sadd.s32 s7, s6  }
0xb: {  	[sflag:s8] =	ssyncpa.u1 $0x0;
	s8 =	simm.s32 $0x410000;
	s7 =	sadd.s32 $0x1, s6  }
.LBB1_4:
0xc: {  	s14 =	sshll.u32 s11, $0x3  }
0xd: {  	s30 =	sand.u32 $0x7F, s11;
	s15 =	sand.u32 $0xFFFFFC00, s14  }
0xe: {  	s11 =	sor.u32 s30, s15  }
0xf: {  	s15 =	smulhi.u32 $0xFC0FC0FD, s11  }
0x10: {  	s14 =	smulhi.u32 $0xFC0FC0FD, s14  }
0x11: {  	s15 =	sshrl.u32 s15, $0x13  }
0x12: {  	s14 =	sshrl.u32 s14, $0x13;
	s15 =	smul.u32 $0x82000, s15  }
0x13: {  	s14 =	sand.u32 $0x1F, s14  }
0x14: {  	s14 =	smul.u32 $0x10400, s14;
	s11 =	ssub.s32 s11, s15  }
0x15: {  	s15 =	sand.u32 $0x7, s11  }
0x16: {  	s14 =	sadd.s32 s2, s14;
	s11 =	sshrl.u32 s11, $0x3;
	s15 =	sshll.u32 s15, $0x12  }
0x17: {  	[tilespmem:s13+$0x0 ss:$0x81] =	vst.msk $0xffff, v0;
	s11 =	sadd.s32 s11, s14;
	s31 =	sor.u32 $0x400, s15  }
0x18: {  	[hbm4b:s11+s31] =	stream.strided.scatter [tilespmem:s12], [sflag:$0x2], $0x1000, s8, s31, $0x20;
	[tilespmem:$0x4040] =	vst v63  }
.LBB1_5:
0x19: {  	s13 =	sadd.s32 $0x1000, s9  }
0x1a: {  	p2 =	sgt.s32 s13, $0x81FFF  }
0x1b: {  	s13 =	smov.u32 @p2 s3;
	p2 =	sne.s32 s10, s7  }
.Ltmp1:
0x1c: {  	p1 =	slt.u32 s10, $0x2;
	(pc) =	sbr.rel @!p2 .LBB1_6-.Ltmp1, $4  }
0x1d: {  	s12 =	simm.s32 @!p1 $0x2  }
0x1e: {  	s14 =	sadd.s32 $0x1, s10;
	_ =	swait.ge @!p1 [sflag:s12], $0x1000  }
0x1f: {  	s11 =	smov.u32 s9;
	p0 =	por !p0, !p0;
	[sflag:s12] =	ssyncset.done @!p1 $0x0  }
0x20: {  	s10 =	smov.u32 s14;
	s9 =	smov.u32 s13;
	[sflag:s12] =	ssyncadd.s32 @!p1 $0xFFFFF000  }
.LBB1_1:
0x21: {  	p1 =	sge.u32 s10, s6  }
0x22: {  	s12 =	sand.u32 @!p1 $0x1FFFFFF, s9  }
0x23: {  	s13 =	smulhi.u32 @!p1 $0xFC0FC1, s12;
	_ =	sdelay $0x1  }
0x24: {  	s13 =	sshrl.u32 @!p1 s13, $0xB  }
0x25: {  	s13 =	smul.u32 @!p1 $0x82000, s13;
	_ =	sdelay $0x1  }
0x26: {  	s31 =	sadd.s32 $0xFFFFFFFF, s10;
	s14 =	sxor.u32 @!p1 $0xFFFFFFFF, s10;
	s12 =	ssub.s32 @!p1 s12, s13  }
0x27: {  	s15 =	simm.s32 @!p1 $0x80;
	s14 =	sshll.u32 @!p1 s14, $0xC;
	s12 =	sshll.u32 @!p1 s12, $0x4  }
0x28: {  	s13 =	sand.u32 @!p1 $0x1000, s14;
	s14 =	simm.s32 @!p1 $0x20;
	s12 =	sadd.s32 @!p1 s4, s12  }
0x29: {  	[tilespmem:s13], [sflag:$0x1] =	stream.strided.gather @!p1 [hbm4b:s12+s14], $0x1000, s15, s14, $0x38;
	[tilespmem:$0x4040] =	vst v63  }
0x2a: {  	p1 =	sge.u32 s31, s6  }
.Ltmp2:
0x2b: {  	_ = 	snop;
	(pc) =	sbr.rel @p1 .LBB1_5-.Ltmp2, $1  }
0x2c: {  	_ =	sdelay $0x3  }
0x2d: {  	s12 =	simm.s32 $0x1  }
0x2e: {  	_ =	swait.ge [sflag:s5], $0x1000;
	s12 =	simm.s32 @!p0 $0x0  }
0x2f: {  	[sflag:s5] =	ssyncset.done $0x0;
	s13 =	sshll.u32 s12, $0xC  }
0x30: {  	[sflag:s5] =	ssyncadd.s32 $0xFFFFF000;
	s16 =	sor.u32 $0x10, s13  }
0x31: {  	s12 =	smul.u32 $0x4080, s12;
	v1 =	vld [tilespmem:s16+$0x0]  }
0x32: {  	s30 =	sand.u32 $0x1, s10;
	v0 =	vld [tilespmem:s16+$0xFFFFFFF0]  }
0x33: {  	s13 =	smul.u32 $0x4080, s30;
	s12 =	sshrl.u32 s12, $0x2  }
0x34: {  	s14 =	sor.u32 $0x2000, s12  }
0x35: {  	s31 =	sshrl.u32 s13, $0x2;
	s13 =	sadd.s32 $0x0, s14  }
0x36: {  	s15 =	simm.s32 $0x4;
	s16 =	sadd.s32 $0x20, s16;
	s12 =	sor.u32 $0x2000, s31;
	[tilespmem:s13+$0x810 ss:$0x81] =	vst.msk $0xffff, v1  }
.LBB1_3:
0x37: {  	v1 =	vld [tilespmem:s16+$0x0];
	p1 =	sne.s32 s15, $0x1FC;
	[tilespmem:s13+$0x0 ss:$0x81] =	vst.msk $0xffff, v0;
	s13 =	smov.u32 s15;
	s15 =	sadd.s32 $0x4, s15  }
.Ltmp3:
0x38: {  	v0 =	vld [tilespmem:s16+$0xFFFFFFF0];
	(pc) =	sbr.rel @p1 .LBB1_3-.Ltmp3, $4  }
0x39: {  	_ = 	snop  }
0x3a: {  	s13 =	sshra.s32 s13, $0x2  }
0x3b: {  	s13 =	sadd.s32 s13, s14  }
0x3c: {  	s16 =	sadd.s32 $0x20, s16;
	[tilespmem:s13+$0x810 ss:$0x81] =	vst.msk $0xffff, v1  }
.Ltmp4:
0x3d: {  	_ = 	snop;
	(pc) =	sbr.rel .LBB1_4-.Ltmp4, $1  }
0x3e: {  	_ =	sdelay $0x3  }
.LBB1_6:
0x3f: {  	_ =	sfence.sel $0x180000  }
0x40: {  	s2 =	simm.s32 $0x1;
	[bflag:$0x0] =	sbarrier.arrive $0xFFFF  }
0x41: {  	s31 =	simm.s32 $0x2;
	[sflag:s2] =	ssyncpa.u1 $0x1  }
0x42: {  	[sflag:s31] =	ssyncpa.u1 $0x1  }
0x43: {  	p0 =	sne.s32 s0, $0x0;
	_ =	strace $0x9000004A  }
0x44: {  	s0 =	sadd.s32 @!p0 $0x100000, s1;
	[bflag:$0x2] =	sbarrier.arrive $0xFFFF  }
0x45: {  	[sflag:s0] =	ssyncadd.tile.s32 @!p0 $0x1;
	_ =	shalt  }
.Lfunc_end1:
_tile_overlayer_lowered:
.L_overlay_start_2:
0x46: {  	(tag) =	ssettag $0x2  }
0x47: {  	s0 =	rddreg [dreg:$0x0];
	s2 =	stileid.u32  }
0x48: {  	s1 =	rddreg [dreg:$0x1];
	p0 =	sne.s32 s2, $0x0  }
0x49: {  	s3 =	rddreg [dreg:$0x2];
	[bflag:$0x3] =	sbarrier.arrive $0xFFFF;
	s2 =	simm.s32 @!p0 $0x1C01  }
0x4a: {  	[timem:s3], [sflag:s2] =	dma.local @!p0 [hbm:s0], s1  }
0x4b: {  	s0 =	simm.s32 @!p0 $0x1  }
0x4c: {  	_ =	swait.ge @!p0 [sflag:s0], s1  }
0x4d: {  	s1 =	ssub.s32 @!p0 $0x0, s1;
	[sflag:s0] =	ssyncset.done @!p0 $0x0  }
0x4e: {  	[sflag:s0] =	ssyncadd.s32 @!p0 s1  }
0x4f: {  	[bflag:$0x3] =	sbarrier.arrive $0xFFFF  }
0x50: {  	_ =	shalt  }

</sc_bundles>
